<compile_context>
chip_gen: v7x
topology: tpu7x:2x2x1
jax: 0.10.2.dev20260603
libtpu: 0.0.44.dev20260713+nightly
codegen_flags: <defaults>
</compile_context>

<pallas_src>
import functools

import jax
import jax.numpy as jnp
from jax import lax
from jax.experimental import pallas as pl
from jax.experimental.pallas import tpu as pltpu
from jax.experimental.pallas import tpu_sc as plsc

N = 10000
E = 320000
D = 128
DH = 64
H = 128
C = 41
CP = 48

NC = 2
NS = 16
NW = NC * NS
K = 128
EP = 327680
CH1 = EP // (NS * K)
CH2 = EP // (NW * K)
NPAD = 10112
RPT = NPAD // NS


def _pass1_body(src_hbm, dst_hbm, xs_hbm, zrows_hbm, zvec_hbm, ones_hbm,
                s_out, deg_out,
                src_v, dsta_v, dstb_v, rows0_v, rows1_v, ones_v, degb_v,
                x_sh, acc_sh, deg_sh, gsem0, gsem1, isema, isemb):
  c = lax.axis_index("c")
  s = lax.axis_index("s")
  sl = pl.ds(s * RPT, RPT)

  pltpu.sync_copy(zrows_hbm, acc_sh.at[sl])
  pltpu.sync_copy(xs_hbm.at[sl, pl.ds(c * DH, DH)], x_sh.at[sl])
  pltpu.sync_copy(src_hbm.at[s], src_v)
  pltpu.sync_copy(ones_hbm, ones_v)
  pltpu.sync_copy(zvec_hbm, degb_v)
  pltpu.sync_copy(degb_v, deg_sh.at[sl])
  plsc.subcore_barrier()

  pltpu.async_copy(dst_hbm.at[s, 0], dsta_v, isema)
  pltpu.async_copy(dst_hbm.at[s, 1], dstb_v, isemb)
  pltpu.async_copy(x_sh.at[src_v.at[0]], rows0_v, gsem0)

  def body(i, _):
    j0 = 2 * i
    j1 = j0 + 1
    j2 = jnp.minimum(j0 + 2, CH1 - 1)
    j3 = jnp.minimum(j0 + 3, CH1 - 1)
    pltpu.async_copy(x_sh.at[src_v.at[j1]], rows1_v, gsem1)
    pltpu.make_async_copy(x_sh.at[src_v.at[j0]], rows0_v, gsem0).wait()
    pltpu.make_async_copy(dst_hbm.at[s, j0], dsta_v, isema).wait()
    pltpu.sync_copy(rows0_v, acc_sh.at[dsta_v], add=True)

    @pl.when(c == 0)
    def _():
      pltpu.sync_copy(ones_v, deg_sh.at[dsta_v], add=True)

    pltpu.async_copy(x_sh.at[src_v.at[j2]], rows0_v, gsem0)
    pltpu.async_copy(dst_hbm.at[s, j2], dsta_v, isema)
    pltpu.make_async_copy(x_sh.at[src_v.at[j1]], rows1_v, gsem1).wait()
    pltpu.make_async_copy(dst_hbm.at[s, j1], dstb_v, isemb).wait()
    pltpu.sync_copy(rows1_v, acc_sh.at[dstb_v], add=True)

    @pl.when(c == 1)
    def _():
      pltpu.sync_copy(ones_v, deg_sh.at[dstb_v], add=True)

    pltpu.async_copy(dst_hbm.at[s, j3], dstb_v, isemb)
    return 0

  lax.fori_loop(0, CH1 // 2, body, 0)
  pltpu.make_async_copy(x_sh.at[src_v.at[CH1 - 1]], rows0_v, gsem0).wait()
  pltpu.make_async_copy(dst_hbm.at[s, CH1 - 1], dsta_v, isema).wait()
  pltpu.make_async_copy(dst_hbm.at[s, CH1 - 1], dstb_v, isemb).wait()
  plsc.subcore_barrier()

  pltpu.sync_copy(acc_sh.at[sl], s_out.at[c, sl])
  pltpu.sync_copy(deg_sh.at[sl], degb_v)
  pltpu.sync_copy(degb_v, deg_out.at[pl.ds(c * NPAD + s * RPT, RPT)])


def _make_pass1():
  mesh = plsc.VectorSubcoreMesh(core_axis_name="c", subcore_axis_name="s")
  out_type = [jax.ShapeDtypeStruct((NC, NPAD, DH), jnp.float32),
              jax.ShapeDtypeStruct((NC * NPAD,), jnp.float32)]
  scratch = [
      pltpu.VMEM((CH1, K), jnp.int32),
      pltpu.VMEM((K,), jnp.int32),
      pltpu.VMEM((K,), jnp.int32),
      pltpu.VMEM((K, DH), jnp.float32),
      pltpu.VMEM((K, DH), jnp.float32),
      pltpu.VMEM((K,), jnp.float32),
      pltpu.VMEM((RPT,), jnp.float32),
      pltpu.VMEM_SHARED((NPAD, DH), jnp.float32),
      pltpu.VMEM_SHARED((NPAD, DH), jnp.float32),
      pltpu.VMEM_SHARED((NPAD,), jnp.float32),
      pltpu.SemaphoreType.DMA,
      pltpu.SemaphoreType.DMA,
      pltpu.SemaphoreType.DMA,
      pltpu.SemaphoreType.DMA,
  ]
  return pl.kernel(
      _pass1_body, out_type=out_type, mesh=mesh, scratch_types=scratch,
      compiler_params=pltpu.CompilerParams(use_tc_tiling_on_sc=False))


def _pass2_body(src_hbm, dst_hbm, hp_hbm, zrows_hbm,
                s_out,
                src_v, dsta_v, dstb_v, rows0_v, rows1_v, hp_sh, acc_sh,
                gsem0, gsem1, isema, isemb):
  c = lax.axis_index("c")
  s = lax.axis_index("s")
  wid = s * NC + c
  sl = pl.ds(s * RPT, RPT)

  pltpu.sync_copy(zrows_hbm, acc_sh.at[sl])
  pltpu.sync_copy(hp_hbm.at[sl], hp_sh.at[sl])
  pltpu.sync_copy(src_hbm.at[wid], src_v)
  plsc.subcore_barrier()

  pltpu.async_copy(dst_hbm.at[wid, 0], dsta_v, isema)
  pltpu.async_copy(dst_hbm.at[wid, 1], dstb_v, isemb)
  pltpu.async_copy(hp_sh.at[src_v.at[0]], rows0_v, gsem0)

  def body(i, _):
    j0 = 2 * i
    j1 = j0 + 1
    j2 = jnp.minimum(j0 + 2, CH2 - 1)
    j3 = jnp.minimum(j0 + 3, CH2 - 1)
    pltpu.async_copy(hp_sh.at[src_v.at[j1]], rows1_v, gsem1)
    pltpu.make_async_copy(hp_sh.at[src_v.at[j0]], rows0_v, gsem0).wait()
    pltpu.make_async_copy(dst_hbm.at[wid, j0], dsta_v, isema).wait()
    pltpu.sync_copy(rows0_v, acc_sh.at[dsta_v], add=True)
    pltpu.async_copy(hp_sh.at[src_v.at[j2]], rows0_v, gsem0)
    pltpu.async_copy(dst_hbm.at[wid, j2], dsta_v, isema)
    pltpu.make_async_copy(hp_sh.at[src_v.at[j1]], rows1_v, gsem1).wait()
    pltpu.make_async_copy(dst_hbm.at[wid, j1], dstb_v, isemb).wait()
    pltpu.sync_copy(rows1_v, acc_sh.at[dstb_v], add=True)
    pltpu.async_copy(dst_hbm.at[wid, j3], dstb_v, isemb)
    return 0

  lax.fori_loop(0, CH2 // 2, body, 0)
  pltpu.make_async_copy(hp_sh.at[src_v.at[CH2 - 1]], rows0_v, gsem0).wait()
  pltpu.make_async_copy(dst_hbm.at[wid, CH2 - 1], dsta_v, isema).wait()
  pltpu.make_async_copy(dst_hbm.at[wid, CH2 - 1], dstb_v, isemb).wait()
  plsc.subcore_barrier()

  pltpu.sync_copy(acc_sh.at[sl], s_out.at[c, sl])


def _make_pass2():
  mesh = plsc.VectorSubcoreMesh(core_axis_name="c", subcore_axis_name="s")
  out_type = [jax.ShapeDtypeStruct((NC, NPAD, CP), jnp.float32)]
  scratch = [
      pltpu.VMEM((CH2, K), jnp.int32),
      pltpu.VMEM((K,), jnp.int32),
      pltpu.VMEM((K,), jnp.int32),
      pltpu.VMEM((K, CP), jnp.float32),
      pltpu.VMEM((K, CP), jnp.float32),
      pltpu.VMEM_SHARED((NPAD, CP), jnp.float32),
      pltpu.VMEM_SHARED((NPAD, CP), jnp.float32),
      pltpu.SemaphoreType.DMA,
      pltpu.SemaphoreType.DMA,
      pltpu.SemaphoreType.DMA,
      pltpu.SemaphoreType.DMA,
  ]
  return pl.kernel(
      _pass2_body, out_type=out_type, mesh=mesh, scratch_types=scratch,
      compiler_params=pltpu.CompilerParams(use_tc_tiling_on_sc=False))


def _tc1_body(s1a, s1b, dega, degb, x, w1l, w1r, b1, w2lp, h_out, hp_out):
  d = jnp.maximum(dega[0] + degb[0], 1.0)
  agg = jnp.concatenate([s1a[0], s1b[0]], axis=1) / d
  h = agg @ w1l[...] + x[...] @ w1r[...] + b1[...]
  h = jnp.maximum(h, 0.0)
  h_out[...] = h
  hp_out[...] = h @ w2lp[...]


def _tc2_body(s2a, s2b, dega, degb, h, w2rp, b2p, out):
  d = jnp.maximum(dega[0] + degb[0], 1.0)
  logits = (s2a[0] + s2b[0]) / d + h[...] @ w2rp[...] + b2p[...]
  col = lax.broadcasted_iota(jnp.int32, logits.shape, 1)
  ml = jnp.where(col < C, logits, -1e30)
  m = jnp.max(ml, axis=-1, keepdims=True)
  lse = jnp.log(jnp.sum(jnp.exp(ml - m), axis=-1, keepdims=True)) + m
  out[...] = ml - lse


_BR = 1264


def _tc1(s1, deg, xpad, w1l, w1r, b1, w2lp):
  grid = (NPAD // _BR,)
  row = lambda i: (i, 0)
  rowa = lambda i: (0, i, 0)
  rowb = lambda i: (1, i, 0)
  full = lambda i: (0, 0)
  return pl.pallas_call(
      _tc1_body,
      grid=grid,
      in_specs=[
          pl.BlockSpec((1, _BR, DH), rowa), pl.BlockSpec((1, _BR, DH), rowb),
          pl.BlockSpec((1, _BR, 1), rowa), pl.BlockSpec((1, _BR, 1), rowb),
          pl.BlockSpec((_BR, D), row),
          pl.BlockSpec((D, H), full), pl.BlockSpec((D, H), full),
          pl.BlockSpec((1, H), full), pl.BlockSpec((H, CP), full),
      ],
      out_specs=[pl.BlockSpec((_BR, H), row), pl.BlockSpec((_BR, CP), row)],
      out_shape=[jax.ShapeDtypeStruct((NPAD, H), jnp.float32),
                 jax.ShapeDtypeStruct((NPAD, CP), jnp.float32)],
  )(s1, s1, deg, deg, xpad, w1l, w1r, b1, w2lp)


def _tc2(s2, deg, h, w2rp, b2p):
  grid = (NPAD // _BR,)
  row = lambda i: (i, 0)
  rowa = lambda i: (0, i, 0)
  rowb = lambda i: (1, i, 0)
  full = lambda i: (0, 0)
  return pl.pallas_call(
      _tc2_body,
      grid=grid,
      in_specs=[
          pl.BlockSpec((1, _BR, CP), rowa), pl.BlockSpec((1, _BR, CP), rowb),
          pl.BlockSpec((1, _BR, 1), rowa), pl.BlockSpec((1, _BR, 1), rowb),
          pl.BlockSpec((_BR, H), row),
          pl.BlockSpec((H, CP), full), pl.BlockSpec((1, CP), full),
      ],
      out_specs=pl.BlockSpec((_BR, CP), row),
      out_shape=jax.ShapeDtypeStruct((NPAD, CP), jnp.float32),
  )(s2, s2, deg, deg, h, w2rp, b2p)


def kernel(x, edge_index, W1l, W1r, b1, W2l, W2r, b2):
  src = edge_index[0].astype(jnp.int32)
  dst = edge_index[1].astype(jnp.int32)
  pad = EP - E
  srcp = jnp.concatenate([src, jnp.zeros((pad,), jnp.int32)])
  dstp = jnp.concatenate([dst, jnp.full((pad,), N, jnp.int32)])
  src1 = srcp.reshape(NS, CH1, K)
  dst1 = dstp.reshape(NS, CH1, K)
  src2 = srcp.reshape(NW, CH2, K)
  dst2 = dstp.reshape(NW, CH2, K)

  xpad = jnp.pad(x, ((0, NPAD - N), (0, 0)))

  zrows = jnp.zeros((RPT, DH), jnp.float32)
  zrows_c = jnp.zeros((RPT, CP), jnp.float32)
  zvec = jnp.zeros((RPT,), jnp.float32)
  ones = jnp.ones((K,), jnp.float32)

  s1, deg = _make_pass1()(src1, dst1, xpad, zrows, zvec, ones)
  deg = deg.reshape(NC, NPAD, 1)

  w2lp = jnp.pad(W2l, ((0, 0), (0, CP - C)))
  h, hp = _tc1(s1, deg, xpad, W1l, W1r, b1[None, :], w2lp)

  s2 = _make_pass2()(src2, dst2, hp, zrows_c)
  if isinstance(s2, (tuple, list)):
    s2 = s2[0]

  w2rp = jnp.pad(W2r, ((0, 0), (0, CP - C)))
  b2p = jnp.pad(b2, (0, CP - C))[None, :]
  out = _tc2(s2, deg, h, w2rp, b2p)
  return out[:N, :C]

# --- scband reference (transcript-rebuilt; emitter-appended) ---
"""Pipeline reference for scband-graph-sage-420906795016 (READ-ONLY COPY).

The authoritative reference and input builder live on the scoring server;
editing this copy changes nothing except your own understanding.
"""

import jax, jax.numpy as jnp
import numpy as np

N = 10000
E = 320000
D = 128
H = 128
C = 41


def setup_inputs(seed: int = 0) -> dict:
    key = jax.random.key(seed)
    ks = jax.random.split(key, 8)
    x = jax.random.normal(ks[0], (N, D), dtype=jnp.float32)
    edge_index = jnp.asarray(np.random.default_rng(0).integers(0, N, size=(2, E), dtype=np.int64))
    W1l = jax.random.normal(ks[1], (D, H), dtype=jnp.float32) * 0.05
    W1r = jax.random.normal(ks[2], (D, H), dtype=jnp.float32) * 0.05
    b1 = jnp.zeros((H,), dtype=jnp.float32)
    W2l = jax.random.normal(ks[3], (H, C), dtype=jnp.float32) * 0.05
    W2r = jax.random.normal(ks[4], (H, C), dtype=jnp.float32) * 0.05
    b2 = jnp.zeros((C,), dtype=jnp.float32)
    return {"x": x, "edge_index": edge_index, "W1l": W1l, "W1r": W1r, "b1": b1,
            "W2l": W2l, "W2r": W2r, "b2": b2}


def _sage_conv(h, edge_index, Wl, Wr, b):
    # PyG SAGEConv with mean aggregation:
    #   out = lin_l(mean_{j in N(i)} x_j) + lin_r(x_i)
    src = edge_index[0]
    dst = edge_index[1]
    msg = h[src]                                      # gather [E, d]
    s = jax.ops.segment_sum(msg, dst, num_segments=N)  # scatter-add [N, d]
    deg = jax.ops.segment_sum(jnp.ones((edge_index.shape[1],), h.dtype), dst, num_segments=N)
    agg = s / jnp.maximum(deg, 1.0)[:, None]
    return agg @ Wl + h @ Wr + b


def reference(x, edge_index, W1l, W1r, b1, W2l, W2r, b2):
    h = _sage_conv(x, edge_index, W1l, W1r, b1)
    h = jax.nn.relu(h)
    # dropout p=0.0 -> identity
    h = _sage_conv(h, edge_index, W2l, W2r, b2)
    return jax.nn.log_softmax(h, axis=-1)

if __name__ == "__main__":
    import jax
    _d = setup_inputs()
    print(jax.jit(kernel)(*tuple(_d.values())))

</pallas_src>

<mosaic_0001>
#map = affine_map<(d0, d1) -> (0, 0, 0)>
#map1 = affine_map<(d0, d1) -> (0, 0)>
#map2 = affine_map<(d0, d1) -> (0)>
module attributes {stable_mosaic.version = 14 : i64} {
  func.func @_pass1_body(%arg0: i32, %arg1: i32, %arg2: memref<16x160x128xi32, #tpu.memory_space<hbm>>, %arg3: memref<16x160x128xi32, #tpu.memory_space<hbm>>, %arg4: memref<10112x128xf32, #tpu.memory_space<hbm>>, %arg5: memref<632x64xf32, #tpu.memory_space<hbm>>, %arg6: memref<632xf32, #tpu.memory_space<hbm>>, %arg7: memref<128xf32, #tpu.memory_space<hbm>>, %arg8: memref<2x10112x64xf32, #tpu.memory_space<hbm>>, %arg9: memref<20224xf32, #tpu.memory_space<hbm>>, %arg10: memref<160x128xi32, #tpu.memory_space<vmem>>, %arg11: memref<128xi32, #tpu.memory_space<vmem>>, %arg12: memref<128xi32, #tpu.memory_space<vmem>>, %arg13: memref<128x64xf32, #tpu.memory_space<vmem>>, %arg14: memref<128x64xf32, #tpu.memory_space<vmem>>, %arg15: memref<128xf32, #tpu.memory_space<vmem>>, %arg16: memref<632xf32, #tpu.memory_space<vmem>>, %arg17: memref<10112x64xf32, #tpu.memory_space<vmem_shared>>, %arg18: memref<10112x64xf32, #tpu.memory_space<vmem_shared>>, %arg19: memref<10112xf32, #tpu.memory_space<vmem_shared>>, %arg20: memref<!tpu.dma_semaphore, #tpu.memory_space<semaphore_mem>>, %arg21: memref<!tpu.dma_semaphore, #tpu.memory_space<semaphore_mem>>, %arg22: memref<!tpu.dma_semaphore, #tpu.memory_space<semaphore_mem>>, %arg23: memref<!tpu.dma_semaphore, #tpu.memory_space<semaphore_mem>>) attributes {dimension_semantics = [#tpu.dimension_semantics<core_parallel>, #tpu.dimension_semantics<subcore_parallel>], iteration_bounds = array<i64: 2, 16>, scalar_prefetch = 0 : i64, scratch_operands = 14 : i64, tpu.core_type = #tpu.core_type<sc_vector_subcore>, window_params = [{transform_indices = #map}, {transform_indices = #map}, {transform_indices = #map1}, {transform_indices = #map1}, {transform_indices = #map2}, {transform_indices = #map2}, {transform_indices = #map}, {transform_indices = #map2}]} {
    %mul3A = arith.constant 632 : i32
    %mul3A_0 = arith.muli %arg1, %mul3A : i32
    "tpu.region"() ({
      %run_scoped3A = tpu.sem_alloc : memref<!tpu.dma_semaphore, #tpu.memory_space<semaphore_mem>>
      %dma_start3A_54 = arith.constant 0 : i32
      %dma_start3A_55 = tpu.memref_slice %arg18[%mul3A_0, %dma_start3A_54] : memref<10112x64xf32, #tpu.memory_space<vmem_shared>> -> memref<632x64xf32, #tpu.memory_space<vmem_shared>>
      tpu.enqueue_dma source(%arg5 : memref<632x64xf32, #tpu.memory_space<hbm>>) target(%dma_start3A_55 : memref<632x64xf32, #tpu.memory_space<vmem_shared>>) target_semaphore(%run_scoped3A : memref<!tpu.dma_semaphore, #tpu.memory_space<semaphore_mem>>)
      %dma_wait3A_56 = arith.constant 0 : i32
      %dma_wait3A_57 = tpu.memref_slice %arg18[%mul3A_0, %dma_wait3A_56] : memref<10112x64xf32, #tpu.memory_space<vmem_shared>> -> memref<632x64xf32, #tpu.memory_space<vmem_shared>>
      tpu.wait_dma2 semaphore(%run_scoped3A : memref<!tpu.dma_semaphore, #tpu.memory_space<semaphore_mem>>) src(%arg5 : memref<632x64xf32, #tpu.memory_space<hbm>>) dst(%dma_wait3A_57 : memref<632x64xf32, #tpu.memory_space<vmem_shared>>)
      tpu.yield
    }) : () -> ()
    %mul3A_1 = arith.constant 64 : i32
    %mul3A_2 = arith.muli %arg0, %mul3A_1 : i32
    "tpu.region"() ({
      %run_scoped3A = tpu.sem_alloc : memref<!tpu.dma_semaphore, #tpu.memory_space<semaphore_mem>>
      %dma_start3A_54 = arith.constant 0 : i32
      %dma_start3A_55 = tpu.memref_slice %arg17[%mul3A_0, %dma_start3A_54] : memref<10112x64xf32, #tpu.memory_space<vmem_shared>> -> memref<632x64xf32, #tpu.memory_space<vmem_shared>>
      %dma_start3A_56 = tpu.memref_slice %arg4[%mul3A_0, %mul3A_2] : memref<10112x128xf32, #tpu.memory_space<hbm>> -> memref<632x64xf32, #tpu.memory_space<hbm>>
      tpu.enqueue_dma source(%dma_start3A_56 : memref<632x64xf32, #tpu.memory_space<hbm>>) target(%dma_start3A_55 : memref<632x64xf32, #tpu.memory_space<vmem_shared>>) target_semaphore(%run_scoped3A : memref<!tpu.dma_semaphore, #tpu.memory_space<semaphore_mem>>)
      %dma_wait3A_57 = arith.constant 0 : i32
      %dma_wait3A_58 = tpu.memref_slice %arg17[%mul3A_0, %dma_wait3A_57] : memref<10112x64xf32, #tpu.memory_space<vmem_shared>> -> memref<632x64xf32, #tpu.memory_space<vmem_shared>>
      %dma_wait3A_59 = tpu.memref_slice %arg4[%mul3A_0, %mul3A_2] : memref<10112x128xf32, #tpu.memory_space<hbm>> -> memref<632x64xf32, #tpu.memory_space<hbm>>
      tpu.wait_dma2 semaphore(%run_scoped3A : memref<!tpu.dma_semaphore, #tpu.memory_space<semaphore_mem>>) src(%dma_wait3A_59 : memref<632x64xf32, #tpu.memory_space<hbm>>) dst(%dma_wait3A_58 : memref<632x64xf32, #tpu.memory_space<vmem_shared>>)
      tpu.yield
    }) : () -> ()
    "tpu.region"() ({
      %run_scoped3A = tpu.sem_alloc : memref<!tpu.dma_semaphore, #tpu.memory_space<semaphore_mem>>
      %dma_start3A_54 = arith.constant 0 : i32
      %dma_start3A_55 = arith.constant 0 : i32
      %dma_start3A_56 = tpu.memref_slice %arg2[%arg1, %dma_start3A_54, %dma_start3A_55] : memref<16x160x128xi32, #tpu.memory_space<hbm>> -> memref<1x160x128xi32, #tpu.memory_space<hbm>>
      %dma_start3A_57 = tpu.memref_squeeze %dma_start3A_56 : memref<1x160x128xi32, #tpu.memory_space<hbm>> -> memref<160x128xi32, #tpu.memory_space<hbm>>
      %dma_start3A_58 = arith.constant 0 : i32
      %dma_start3A_59 = arith.constant 0 : i32
      %dma_start3A_60 = tpu.memref_slice %arg2[%arg1, %dma_start3A_58, %dma_start3A_59] : memref<16x160x128xi32, #tpu.memory_space<hbm>> -> memref<1x160x128xi32, #tpu.memory_space<hbm>>
      %dma_start3A_61 = tpu.memref_squeeze %dma_start3A_60 : memref<1x160x128xi32, #tpu.memory_space<hbm>> -> memref<160x128xi32, #tpu.memory_space<hbm>>
      tpu.enqueue_dma source(%dma_start3A_61 : memref<160x128xi32, #tpu.memory_space<hbm>>) target(%arg10 : memref<160x128xi32, #tpu.memory_space<vmem>>) target_semaphore(%run_scoped3A : memref<!tpu.dma_semaphore, #tpu.memory_space<semaphore_mem>>)
      %dma_wait3A_62 = arith.constant 0 : i32
      %dma_wait3A_63 = arith.constant 0 : i32
      %dma_wait3A_64 = tpu.memref_slice %arg2[%arg1, %dma_wait3A_62, %dma_wait3A_63] : memref<16x160x128xi32, #tpu.memory_space<hbm>> -> memref<1x160x128xi32, #tpu.memory_space<hbm>>
      %dma_wait3A_65 = tpu.memref_squeeze %dma_wait3A_64 : memref<1x160x128xi32, #tpu.memory_space<hbm>> -> memref<160x128xi32, #tpu.memory_space<hbm>>
      %dma_wait3A_66 = arith.constant 0 : i32
      %dma_wait3A_67 = arith.constant 0 : i32
      %dma_wait3A_68 = tpu.memref_slice %arg2[%arg1, %dma_wait3A_66, %dma_wait3A_67] : memref<16x160x128xi32, #tpu.memory_space<hbm>> -> memref<1x160x128xi32, #tpu.memory_space<hbm>>
      %dma_wait3A_69 = tpu.memref_squeeze %dma_wait3A_68 : memref<1x160x128xi32, #tpu.memory_space<hbm>> -> memref<160x128xi32, #tpu.memory_space<hbm>>
      tpu.wait_dma2 semaphore(%run_scoped3A : memref<!tpu.dma_semaphore, #tpu.memory_space<semaphore_mem>>) src(%dma_wait3A_69 : memref<160x128xi32, #tpu.memory_space<hbm>>) dst(%arg10 : memref<160x128xi32, #tpu.memory_space<vmem>>)
      tpu.yield
    }) : () -> ()
    "tpu.region"() ({
      %run_scoped3A = tpu.sem_alloc : memref<!tpu.dma_semaphore, #tpu.memory_space<semaphore_mem>>
      tpu.enqueue_dma source(%arg7 : memref<128xf32, #tpu.memory_space<hbm>>) target(%arg15 : memref<128xf32, #tpu.memory_space<vmem>>) target_semaphore(%run_scoped3A : memref<!tpu.dma_semaphore, #tpu.memory_space<semaphore_mem>>)
      tpu.wait_dma2 semaphore(%run_scoped3A : memref<!tpu.dma_semaphore, #tpu.memory_space<semaphore_mem>>) src(%arg7 : memref<128xf32, #tpu.memory_space<hbm>>) dst(%arg15 : memref<128xf32, #tpu.memory_space<vmem>>)
      tpu.yield
    }) : () -> ()
    "tpu.region"() ({
      %run_scoped3A = tpu.sem_alloc : memref<!tpu.dma_semaphore, #tpu.memory_space<semaphore_mem>>
      tpu.enqueue_dma source(%arg6 : memref<632xf32, #tpu.memory_space<hbm>>) target(%arg16 : memref<632xf32, #tpu.memory_space<vmem>>) target_semaphore(%run_scoped3A : memref<!tpu.dma_semaphore, #tpu.memory_space<semaphore_mem>>)
      tpu.wait_dma2 semaphore(%run_scoped3A : memref<!tpu.dma_semaphore, #tpu.memory_space<semaphore_mem>>) src(%arg6 : memref<632xf32, #tpu.memory_space<hbm>>) dst(%arg16 : memref<632xf32, #tpu.memory_space<vmem>>)
      tpu.yield
    }) : () -> ()
    "tpu.region"() ({
      %run_scoped3A = tpu.sem_alloc : memref<!tpu.dma_semaphore, #tpu.memory_space<semaphore_mem>>
      %dma_start3A_54 = tpu.memref_slice %arg19[%mul3A_0] : memref<10112xf32, #tpu.memory_space<vmem_shared>> -> memref<632xf32, #tpu.memory_space<vmem_shared>>
      %dma_start3A_55 = tpu.memref_slice %arg19[%mul3A_0] : memref<10112xf32, #tpu.memory_space<vmem_shared>> -> memref<632xf32, #tpu.memory_space<vmem_shared>>
      tpu.enqueue_dma source(%arg16 : memref<632xf32, #tpu.memory_space<vmem>>) target(%dma_start3A_55 : memref<632xf32, #tpu.memory_space<vmem_shared>>) target_semaphore(%run_scoped3A : memref<!tpu.dma_semaphore, #tpu.memory_space<semaphore_mem>>)
      %dma_wait3A_56 = tpu.memref_slice %arg19[%mul3A_0] : memref<10112xf32, #tpu.memory_space<vmem_shared>> -> memref<632xf32, #tpu.memory_space<vmem_shared>>
      %dma_wait3A_57 = tpu.memref_slice %arg19[%mul3A_0] : memref<10112xf32, #tpu.memory_space<vmem_shared>> -> memref<632xf32, #tpu.memory_space<vmem_shared>>
      tpu.wait_dma2 semaphore(%run_scoped3A : memref<!tpu.dma_semaphore, #tpu.memory_space<semaphore_mem>>) src(%arg16 : memref<632xf32, #tpu.memory_space<vmem>>) dst(%dma_wait3A_57 : memref<632xf32, #tpu.memory_space<vmem_shared>>)
      tpu.yield
    }) : () -> ()
    %barrier3A = arith.constant 0 : index
    tpu.barrier barrier_id(%barrier3A)
    %dma_start3A = arith.constant 0 : i32
    %dma_start3A_3 = arith.constant 0 : i32
    %dma_start3A_4 = tpu.memref_slice %arg3[%arg1, %dma_start3A, %dma_start3A_3] : memref<16x160x128xi32, #tpu.memory_space<hbm>> -> memref<1x1x128xi32, #tpu.memory_space<hbm>>
    %dma_start3A_5 = tpu.memref_squeeze %dma_start3A_4 : memref<1x1x128xi32, #tpu.memory_space<hbm>> -> memref<128xi32, #tpu.memory_space<hbm>>
    %dma_start3A_6 = arith.constant 0 : i32
    %dma_start3A_7 = tpu.memref_slice %arg3[%arg1, %dma_start3A, %dma_start3A_6] : memref<16x160x128xi32, #tpu.memory_space<hbm>> -> memref<1x1x128xi32, #tpu.memory_space<hbm>>
    %dma_start3A_8 = tpu.memref_squeeze %dma_start3A_7 : memref<1x1x128xi32, #tpu.memory_space<hbm>> -> memref<128xi32, #tpu.memory_space<hbm>>
    tpu.enqueue_dma source(%dma_start3A_8 : memref<128xi32, #tpu.memory_space<hbm>>) target(%arg11 : memref<128xi32, #tpu.memory_space<vmem>>) target_semaphore(%arg22 : memref<!tpu.dma_semaphore, #tpu.memory_space<semaphore_mem>>)
    %dma_start3A_9 = arith.constant 1 : i32
    %dma_start3A_10 = arith.constant 0 : i32
    %dma_start3A_11 = tpu.memref_slice %arg3[%arg1, %dma_start3A_9, %dma_start3A_10] : memref<16x160x128xi32, #tpu.memory_space<hbm>> -> memref<1x1x128xi32, #tpu.memory_space<hbm>>
    %dma_start3A_12 = tpu.memref_squeeze %dma_start3A_11 : memref<1x1x128xi32, #tpu.memory_space<hbm>> -> memref<128xi32, #tpu.memory_space<hbm>>
    %dma_start3A_13 = arith.constant 0 : i32
    %dma_start3A_14 = tpu.memref_slice %arg3[%arg1, %dma_start3A_9, %dma_start3A_13] : memref<16x160x128xi32, #tpu.memory_space<hbm>> -> memref<1x1x128xi32, #tpu.memory_space<hbm>>
    %dma_start3A_15 = tpu.memref_squeeze %dma_start3A_14 : memref<1x1x128xi32, #tpu.memory_space<hbm>> -> memref<128xi32, #tpu.memory_space<hbm>>
    tpu.enqueue_dma source(%dma_start3A_15 : memref<128xi32, #tpu.memory_space<hbm>>) target(%arg12 : memref<128xi32, #tpu.memory_space<vmem>>) target_semaphore(%arg23 : memref<!tpu.dma_semaphore, #tpu.memory_space<semaphore_mem>>)
    %dma_start3A_16 = arith.constant 0 : i32
    %dma_start3A_17 = arith.constant 0 : i32
    %dma_start3A_18 = tpu.memref_slice %arg10[%dma_start3A_16, %dma_start3A_17] : memref<160x128xi32, #tpu.memory_space<vmem>> -> memref<1x128xi32, #tpu.memory_space<vmem>>
    %dma_start3A_19 = tpu.memref_squeeze %dma_start3A_18 : memref<1x128xi32, #tpu.memory_space<vmem>> -> memref<128xi32, #tpu.memory_space<vmem>>
    %dma_start3A_20 = arith.constant 0 : i32
    %dma_start3A_21 = arith.constant 0 : i32
    %dma_start3A_22 = tpu.memref_slice %arg17[%dma_start3A_20, %dma_start3A_21] : memref<10112x64xf32, #tpu.memory_space<vmem_shared>> -> memref<10112x64xf32, #tpu.memory_space<vmem_shared>>
    tpu.enqueue_indirect_dma source(%dma_start3A_22 : memref<10112x64xf32, #tpu.memory_space<vmem_shared>>) target(%arg13 : memref<128x64xf32, #tpu.memory_space<vmem>>) offsets(%dma_start3A_19 : memref<128xi32, #tpu.memory_space<vmem>>) semaphore(%arg20 : memref<!tpu.dma_semaphore, #tpu.memory_space<semaphore_mem>>)
    %scan3A = arith.constant 0 : i32
    %scan3A_23 = arith.constant 0 : i32
    %scan3A_24 = arith.constant 80 : i32
    %scan3A_25 = arith.addi %scan3A_23, %scan3A_24 : i32
    %scan3A_26 = arith.constant 1 : i32
    %scan3A_27 = scf.for %scan3A_54 = %scan3A_23 to %scan3A_25 step %scan3A_26 iter_args(%scan3A_55 = %scan3A) -> (i32)  : i32 {
      %mul3A_56 = arith.constant 2 : i32
      %mul3A_57 = arith.muli %mul3A_56, %scan3A_54 : i32
      %add3A_58 = arith.constant 1 : i32
      %add3A_59 = arith.addi %mul3A_57, %add3A_58 : i32
      %add3A_60 = arith.constant 2 : i32
      %add3A_61 = arith.addi %mul3A_57, %add3A_60 : i32
      %min3A = arith.constant 159 : i32
      %min3A_62 = arith.minsi %add3A_61, %min3A : i32
      %add3A_63 = arith.constant 3 : i32
      %add3A_64 = arith.addi %mul3A_57, %add3A_63 : i32
      %min3A_65 = arith.constant 159 : i32
      %min3A_66 = arith.minsi %add3A_64, %min3A_65 : i32
      %dma_start3A_67 = arith.constant 0 : i32
      %dma_start3A_68 = tpu.memref_slice %arg10[%add3A_59, %dma_start3A_67] : memref<160x128xi32, #tpu.memory_space<vmem>> -> memref<1x128xi32, #tpu.memory_space<vmem>>
      %dma_start3A_69 = tpu.memref_squeeze %dma_start3A_68 : memref<1x128xi32, #tpu.memory_space<vmem>> -> memref<128xi32, #tpu.memory_space<vmem>>
      %dma_start3A_70 = arith.constant 0 : i32
      %dma_start3A_71 = arith.constant 0 : i32
      %dma_start3A_72 = tpu.memref_slice %arg17[%dma_start3A_70, %dma_start3A_71] : memref<10112x64xf32, #tpu.memory_space<vmem_shared>> -> memref<10112x64xf32, #tpu.memory_space<vmem_shared>>
      tpu.enqueue_indirect_dma source(%dma_start3A_72 : memref<10112x64xf32, #tpu.memory_space<vmem_shared>>) target(%arg14 : memref<128x64xf32, #tpu.memory_space<vmem>>) offsets(%dma_start3A_69 : memref<128xi32, #tpu.memory_space<vmem>>) semaphore(%arg21 : memref<!tpu.dma_semaphore, #tpu.memory_space<semaphore_mem>>)
      %dma_wait3A_73 = arith.constant 0 : i32
      %dma_wait3A_74 = tpu.memref_slice %arg10[%mul3A_57, %dma_wait3A_73] : memref<160x128xi32, #tpu.memory_space<vmem>> -> memref<1x128xi32, #tpu.memory_space<vmem>>
      %dma_wait3A_75 = tpu.memref_squeeze %dma_wait3A_74 : memref<1x128xi32, #tpu.memory_space<vmem>> -> memref<128xi32, #tpu.memory_space<vmem>>
      %dma_wait3A_76 = arith.constant 0 : i32
      %dma_wait3A_77 = arith.constant 0 : i32
      %dma_wait3A_78 = tpu.memref_slice %arg17[%dma_wait3A_76, %dma_wait3A_77] : memref<10112x64xf32, #tpu.memory_space<vmem_shared>> -> memref<10112x64xf32, #tpu.memory_space<vmem_shared>>
      tpu.wait_indirect_dma semaphore(%arg20 : memref<!tpu.dma_semaphore, #tpu.memory_space<semaphore_mem>>) src(%dma_wait3A_78 : memref<10112x64xf32, #tpu.memory_space<vmem_shared>>) dst(%arg13 : memref<128x64xf32, #tpu.memory_space<vmem>>)
      %dma_wait3A_79 = arith.constant 0 : i32
      %dma_wait3A_80 = tpu.memref_slice %arg3[%arg1, %mul3A_57, %dma_wait3A_79] : memref<16x160x128xi32, #tpu.memory_space<hbm>> -> memref<1x1x128xi32, #tpu.memory_space<hbm>>
      %dma_wait3A_81 = tpu.memref_squeeze %dma_wait3A_80 : memref<1x1x128xi32, #tpu.memory_space<hbm>> -> memref<128xi32, #tpu.memory_space<hbm>>
      %dma_wait3A_82 = arith.constant 0 : i32
      %dma_wait3A_83 = tpu.memref_slice %arg3[%arg1, %mul3A_57, %dma_wait3A_82] : memref<16x160x128xi32, #tpu.memory_space<hbm>> -> memref<1x1x128xi32, #tpu.memory_space<hbm>>
      %dma_wait3A_84 = tpu.memref_squeeze %dma_wait3A_83 : memref<1x1x128xi32, #tpu.memory_space<hbm>> -> memref<128xi32, #tpu.memory_space<hbm>>
      tpu.wait_dma2 semaphore(%arg22 : memref<!tpu.dma_semaphore, #tpu.memory_space<semaphore_mem>>) src(%dma_wait3A_84 : memref<128xi32, #tpu.memory_space<hbm>>) dst(%arg11 : memref<128xi32, #tpu.memory_space<vmem>>)
      "tpu.region"() ({
        %run_scoped3A = tpu.sem_alloc : memref<!tpu.dma_semaphore, #tpu.memory_space<semaphore_mem>>
        %dma_start3A_123 = arith.constant 0 : i32
        %dma_start3A_124 = arith.constant 0 : i32
        %dma_start3A_125 = tpu.memref_slice %arg18[%dma_start3A_123, %dma_start3A_124] : memref<10112x64xf32, #tpu.memory_space<vmem_shared>> -> memref<10112x64xf32, #tpu.memory_space<vmem_shared>>
        tpu.enqueue_indirect_dma source(%arg13 : memref<128x64xf32, #tpu.memory_space<vmem>>) target(%dma_start3A_125 : memref<10112x64xf32, #tpu.memory_space<vmem_shared>>) offsets(%arg11 : memref<128xi32, #tpu.memory_space<vmem>>) semaphore(%run_scoped3A : memref<!tpu.dma_semaphore, #tpu.memory_space<semaphore_mem>>) {add = true}
        %dma_wait3A_126 = arith.constant 0 : i32
        %dma_wait3A_127 = arith.constant 0 : i32
        %dma_wait3A_128 = tpu.memref_slice %arg18[%dma_wait3A_126, %dma_wait3A_127] : memref<10112x64xf32, #tpu.memory_space<vmem_shared>> -> memref<10112x64xf32, #tpu.memory_space<vmem_shared>>
        tpu.wait_indirect_dma semaphore(%run_scoped3A : memref<!tpu.dma_semaphore, #tpu.memory_space<semaphore_mem>>) src(%arg13 : memref<128x64xf32, #tpu.memory_space<vmem>>) dst(%dma_wait3A_128 : memref<10112x64xf32, #tpu.memory_space<vmem_shared>>)
        tpu.yield
      }) : () -> ()
      %eq3A = arith.constant 0 : i32
      %eq3A_85 = arith.cmpi eq, %arg0, %eq3A : i32
      %convert_element_type3A = arith.extui %eq3A_85 : i1 to i32
      %cond3A = arith.constant 0 : i32
      %cond3A_86 = arith.cmpi ne, %convert_element_type3A, %cond3A : i32
      scf.if %cond3A_86 {
        "tpu.region"() ({
          %run_scoped3A = tpu.sem_alloc : memref<!tpu.dma_semaphore, #tpu.memory_space<semaphore_mem>>
          %dma_start3A_123 = arith.constant 0 : i32
          %dma_start3A_124 = tpu.memref_slice %arg19[%dma_start3A_123] : memref<10112xf32, #tpu.memory_space<vmem_shared>> -> memref<10112xf32, #tpu.memory_space<vmem_shared>>
          tpu.enqueue_indirect_dma source(%arg15 : memref<128xf32, #tpu.memory_space<vmem>>) target(%dma_start3A_124 : memref<10112xf32, #tpu.memory_space<vmem_shared>>) offsets(%arg11 : memref<128xi32, #tpu.memory_space<vmem>>) semaphore(%run_scoped3A : memref<!tpu.dma_semaphore, #tpu.memory_space<semaphore_mem>>) {add = true}
          %dma_wait3A_125 = arith.constant 0 : i32
          %dma_wait3A_126 = tpu.memref_slice %arg19[%dma_wait3A_125] : memref<10112xf32, #tpu.memory_space<vmem_shared>> -> memref<10112xf32, #tpu.memory_space<vmem_shared>>
          tpu.wait_indirect_dma semaphore(%run_scoped3A : memref<!tpu.dma_semaphore, #tpu.memory_space<semaphore_mem>>) src(%arg15 : memref<128xf32, #tpu.memory_space<vmem>>) dst(%dma_wait3A_126 : memref<10112xf32, #tpu.memory_space<vmem_shared>>)
          tpu.yield
        }) : () -> ()
      } else {
      }
      %dma_start3A_87 = arith.constant 0 : i32
      %dma_start3A_88 = tpu.memref_slice %arg10[%min3A_62, %dma_start3A_87] : memref<160x128xi32, #tpu.memory_space<vmem>> -> memref<1x128xi32, #tpu.memory_space<vmem>>
      %dma_start3A_89 = tpu.memref_squeeze %dma_start3A_88 : memref<1x128xi32, #tpu.memory_space<vmem>> -> memref<128xi32, #tpu.memory_space<vmem>>
      %dma_start3A_90 = arith.constant 0 : i32
      %dma_start3A_91 = arith.constant 0 : i32
      %dma_start3A_92 = tpu.memref_slice %arg17[%dma_start3A_90, %dma_start3A_91] : memref<10112x64xf32, #tpu.memory_space<vmem_shared>> -> memref<10112x64xf32, #tpu.memory_space<vmem_shared>>
      tpu.enqueue_indirect_dma source(%dma_start3A_92 : memref<10112x64xf32, #tpu.memory_space<vmem_shared>>) target(%arg13 : memref<128x64xf32, #tpu.memory_space<vmem>>) offsets(%dma_start3A_89 : memref<128xi32, #tpu.memory_space<vmem>>) semaphore(%arg20 : memref<!tpu.dma_semaphore, #tpu.memory_space<semaphore_mem>>)
      %dma_start3A_93 = arith.constant 0 : i32
      %dma_start3A_94 = tpu.memref_slice %arg3[%arg1, %min3A_62, %dma_start3A_93] : memref<16x160x128xi32, #tpu.memory_space<hbm>> -> memref<1x1x128xi32, #tpu.memory_space<hbm>>
      %dma_start3A_95 = tpu.memref_squeeze %dma_start3A_94 : memref<1x1x128xi32, #tpu.memory_space<hbm>> -> memref<128xi32, #tpu.memory_space<hbm>>
      %dma_start3A_96 = arith.constant 0 : i32
      %dma_start3A_97 = tpu.memref_slice %arg3[%arg1, %min3A_62, %dma_start3A_96] : memref<16x160x128xi32, #tpu.memory_space<hbm>> -> memref<1x1x128xi32, #tpu.memory_space<hbm>>
      %dma_start3A_98 = tpu.memref_squeeze %dma_start3A_97 : memref<1x1x128xi32, #tpu.memory_space<hbm>> -> memref<128xi32, #tpu.memory_space<hbm>>
      tpu.enqueue_dma source(%dma_start3A_98 : memref<128xi32, #tpu.memory_space<hbm>>) target(%arg11 : memref<128xi32, #tpu.memory_space<vmem>>) target_semaphore(%arg22 : memref<!tpu.dma_semaphore, #tpu.memory_space<semaphore_mem>>)
      %dma_wait3A_99 = arith.constant 0 : i32
      %dma_wait3A_100 = tpu.memref_slice %arg10[%add3A_59, %dma_wait3A_99] : memref<160x128xi32, #tpu.memory_space<vmem>> -> memref<1x128xi32, #tpu.memory_space<vmem>>
      %dma_wait3A_101 = tpu.memref_squeeze %dma_wait3A_100 : memref<1x128xi32, #tpu.memory_space<vmem>> -> memref<128xi32, #tpu.memory_space<vmem>>
      %dma_wait3A_102 = arith.constant 0 : i32
      %dma_wait3A_103 = arith.constant 0 : i32
      %dma_wait3A_104 = tpu.memref_slice %arg17[%dma_wait3A_102, %dma_wait3A_103] : memref<10112x64xf32, #tpu.memory_space<vmem_shared>> -> memref<10112x64xf32, #tpu.memory_space<vmem_shared>>
      tpu.wait_indirect_dma semaphore(%arg21 : memref<!tpu.dma_semaphore, #tpu.memory_space<semaphore_mem>>) src(%dma_wait3A_104 : memref<10112x64xf32, #tpu.memory_space<vmem_shared>>) dst(%arg14 : memref<128x64xf32, #tpu.memory_space<vmem>>)
      %dma_wait3A_105 = arith.constant 0 : i32
      %dma_wait3A_106 = tpu.memref_slice %arg3[%arg1, %add3A_59, %dma_wait3A_105] : memref<16x160x128xi32, #tpu.memory_space<hbm>> -> memref<1x1x128xi32, #tpu.memory_space<hbm>>
      %dma_wait3A_107 = tpu.memref_squeeze %dma_wait3A_106 : memref<1x1x128xi32, #tpu.memory_space<hbm>> -> memref<128xi32, #tpu.memory_space<hbm>>
      %dma_wait3A_108 = arith.constant 0 : i32
      %dma_wait3A_109 = tpu.memref_slice %arg3[%arg1, %add3A_59, %dma_wait3A_108] : memref<16x160x128xi32, #tpu.memory_space<hbm>> -> memref<1x1x128xi32, #tpu.memory_space<hbm>>
      %dma_wait3A_110 = tpu.memref_squeeze %dma_wait3A_109 : memref<1x1x128xi32, #tpu.memory_space<hbm>> -> memref<128xi32, #tpu.memory_space<hbm>>
      tpu.wait_dma2 semaphore(%arg23 : memref<!tpu.dma_semaphore, #tpu.memory_space<semaphore_mem>>) src(%dma_wait3A_110 : memref<128xi32, #tpu.memory_space<hbm>>) dst(%arg12 : memref<128xi32, #tpu.memory_space<vmem>>)
      "tpu.region"() ({
        %run_scoped3A = tpu.sem_alloc : memref<!tpu.dma_semaphore, #tpu.memory_space<semaphore_mem>>
        %dma_start3A_123 = arith.constant 0 : i32
        %dma_start3A_124 = arith.constant 0 : i32
        %dma_start3A_125 = tpu.memref_slice %arg18[%dma_start3A_123, %dma_start3A_124] : memref<10112x64xf32, #tpu.memory_space<vmem_shared>> -> memref<10112x64xf32, #tpu.memory_space<vmem_shared>>
        tpu.enqueue_indirect_dma source(%arg14 : memref<128x64xf32, #tpu.memory_space<vmem>>) target(%dma_start3A_125 : memref<10112x64xf32, #tpu.memory_space<vmem_shared>>) offsets(%arg12 : memref<128xi32, #tpu.memory_space<vmem>>) semaphore(%run_scoped3A : memref<!tpu.dma_semaphore, #tpu.memory_space<semaphore_mem>>) {add = true}
        %dma_wait3A_126 = arith.constant 0 : i32
        %dma_wait3A_127 = arith.constant 0 : i32
        %dma_wait3A_128 = tpu.memref_slice %arg18[%dma_wait3A_126, %dma_wait3A_127] : memref<10112x64xf32, #tpu.memory_space<vmem_shared>> -> memref<10112x64xf32, #tpu.memory_space<vmem_shared>>
        tpu.wait_indirect_dma semaphore(%run_scoped3A : memref<!tpu.dma_semaphore, #tpu.memory_space<semaphore_mem>>) src(%arg14 : memref<128x64xf32, #tpu.memory_space<vmem>>) dst(%dma_wait3A_128 : memref<10112x64xf32, #tpu.memory_space<vmem_shared>>)
        tpu.yield
      }) : () -> ()
      %eq3A_111 = arith.constant 1 : i32
      %eq3A_112 = arith.cmpi eq, %arg0, %eq3A_111 : i32
      %convert_element_type3A_113 = arith.extui %eq3A_112 : i1 to i32
      %cond3A_114 = arith.constant 0 : i32
      %cond3A_115 = arith.cmpi ne, %convert_element_type3A_113, %cond3A_114 : i32
      scf.if %cond3A_115 {
        "tpu.region"() ({
          %run_scoped3A = tpu.sem_alloc : memref<!tpu.dma_semaphore, #tpu.memory_space<semaphore_mem>>
          %dma_start3A_123 = arith.constant 0 : i32
          %dma_start3A_124 = tpu.memref_slice %arg19[%dma_start3A_123] : memref<10112xf32, #tpu.memory_space<vmem_shared>> -> memref<10112xf32, #tpu.memory_space<vmem_shared>>
          tpu.enqueue_indirect_dma source(%arg15 : memref<128xf32, #tpu.memory_space<vmem>>) target(%dma_start3A_124 : memref<10112xf32, #tpu.memory_space<vmem_shared>>) offsets(%arg12 : memref<128xi32, #tpu.memory_space<vmem>>) semaphore(%run_scoped3A : memref<!tpu.dma_semaphore, #tpu.memory_space<semaphore_mem>>) {add = true}
          %dma_wait3A_125 = arith.constant 0 : i32
          %dma_wait3A_126 = tpu.memref_slice %arg19[%dma_wait3A_125] : memref<10112xf32, #tpu.memory_space<vmem_shared>> -> memref<10112xf32, #tpu.memory_space<vmem_shared>>
          tpu.wait_indirect_dma semaphore(%run_scoped3A : memref<!tpu.dma_semaphore, #tpu.memory_space<semaphore_mem>>) src(%arg15 : memref<128xf32, #tpu.memory_space<vmem>>) dst(%dma_wait3A_126 : memref<10112xf32, #tpu.memory_space<vmem_shared>>)
          tpu.yield
        }) : () -> ()
      } else {
      }
      %dma_start3A_116 = arith.constant 0 : i32
      %dma_start3A_117 = tpu.memref_slice %arg3[%arg1, %min3A_66, %dma_start3A_116] : memref<16x160x128xi32, #tpu.memory_space<hbm>> -> memref<1x1x128xi32, #tpu.memory_space<hbm>>
      %dma_start3A_118 = tpu.memref_squeeze %dma_start3A_117 : memref<1x1x128xi32, #tpu.memory_space<hbm>> -> memref<128xi32, #tpu.memory_space<hbm>>
      %dma_start3A_119 = arith.constant 0 : i32
      %dma_start3A_120 = tpu.memref_slice %arg3[%arg1, %min3A_66, %dma_start3A_119] : memref<16x160x128xi32, #tpu.memory_space<hbm>> -> memref<1x1x128xi32, #tpu.memory_space<hbm>>
      %dma_start3A_121 = tpu.memref_squeeze %dma_start3A_120 : memref<1x1x128xi32, #tpu.memory_space<hbm>> -> memref<128xi32, #tpu.memory_space<hbm>>
      tpu.enqueue_dma source(%dma_start3A_121 : memref<128xi32, #tpu.memory_space<hbm>>) target(%arg12 : memref<128xi32, #tpu.memory_space<vmem>>) target_semaphore(%arg23 : memref<!tpu.dma_semaphore, #tpu.memory_space<semaphore_mem>>)
      %scan3A_122 = arith.constant 0 : i32
      scf.yield %scan3A_122 : i32
    }
    %scan3A_28 = arith.constant 80 : i32
    %dma_wait3A = arith.constant 159 : i32
    %dma_wait3A_29 = arith.constant 0 : i32
    %dma_wait3A_30 = tpu.memref_slice %arg10[%dma_wait3A, %dma_wait3A_29] : memref<160x128xi32, #tpu.memory_space<vmem>> -> memref<1x128xi32, #tpu.memory_space<vmem>>
    %dma_wait3A_31 = tpu.memref_squeeze %dma_wait3A_30 : memref<1x128xi32, #tpu.memory_space<vmem>> -> memref<128xi32, #tpu.memory_space<vmem>>
    %dma_wait3A_32 = arith.constant 0 : i32
    %dma_wait3A_33 = arith.constant 0 : i32
    %dma_wait3A_34 = tpu.memref_slice %arg17[%dma_wait3A_32, %dma_wait3A_33] : memref<10112x64xf32, #tpu.memory_space<vmem_shared>> -> memref<10112x64xf32, #tpu.memory_space<vmem_shared>>
    tpu.wait_indirect_dma semaphore(%arg20 : memref<!tpu.dma_semaphore, #tpu.memory_space<semaphore_mem>>) src(%dma_wait3A_34 : memref<10112x64xf32, #tpu.memory_space<vmem_shared>>) dst(%arg13 : memref<128x64xf32, #tpu.memory_space<vmem>>)
    %dma_wait3A_35 = arith.constant 159 : i32
    %dma_wait3A_36 = arith.constant 0 : i32
    %dma_wait3A_37 = tpu.memref_slice %arg3[%arg1, %dma_wait3A_35, %dma_wait3A_36] : memref<16x160x128xi32, #tpu.memory_space<hbm>> -> memref<1x1x128xi32, #tpu.memory_space<hbm>>
    %dma_wait3A_38 = tpu.memref_squeeze %dma_wait3A_37 : memref<1x1x128xi32, #tpu.memory_space<hbm>> -> memref<128xi32, #tpu.memory_space<hbm>>
    %dma_wait3A_39 = arith.constant 0 : i32
    %dma_wait3A_40 = tpu.memref_slice %arg3[%arg1, %dma_wait3A_35, %dma_wait3A_39] : memref<16x160x128xi32, #tpu.memory_space<hbm>> -> memref<1x1x128xi32, #tpu.memory_space<hbm>>
    %dma_wait3A_41 = tpu.memref_squeeze %dma_wait3A_40 : memref<1x1x128xi32, #tpu.memory_space<hbm>> -> memref<128xi32, #tpu.memory_space<hbm>>
    tpu.wait_dma2 semaphore(%arg22 : memref<!tpu.dma_semaphore, #tpu.memory_space<semaphore_mem>>) src(%dma_wait3A_41 : memref<128xi32, #tpu.memory_space<hbm>>) dst(%arg11 : memref<128xi32, #tpu.memory_space<vmem>>)
    %dma_wait3A_42 = arith.constant 159 : i32
    %dma_wait3A_43 = arith.constant 0 : i32
    %dma_wait3A_44 = tpu.memref_slice %arg3[%arg1, %dma_wait3A_42, %dma_wait3A_43] : memref<16x160x128xi32, #tpu.memory_space<hbm>> -> memref<1x1x128xi32, #tpu.memory_space<hbm>>
    %dma_wait3A_45 = tpu.memref_squeeze %dma_wait3A_44 : memref<1x1x128xi32, #tpu.memory_space<hbm>> -> memref<128xi32, #tpu.memory_space<hbm>>
    %dma_wait3A_46 = arith.constant 0 : i32
    %dma_wait3A_47 = tpu.memref_slice %arg3[%arg1, %dma_wait3A_42, %dma_wait3A_46] : memref<16x160x128xi32, #tpu.memory_space<hbm>> -> memref<1x1x128xi32, #tpu.memory_space<hbm>>
    %dma_wait3A_48 = tpu.memref_squeeze %dma_wait3A_47 : memref<1x1x128xi32, #tpu.memory_space<hbm>> -> memref<128xi32, #tpu.memory_space<hbm>>
    tpu.wait_dma2 semaphore(%arg23 : memref<!tpu.dma_semaphore, #tpu.memory_space<semaphore_mem>>) src(%dma_wait3A_48 : memref<128xi32, #tpu.memory_space<hbm>>) dst(%arg12 : memref<128xi32, #tpu.memory_space<vmem>>)
    %barrier3A_49 = arith.constant 0 : index
    tpu.barrier barrier_id(%barrier3A_49)
    "tpu.region"() ({
      %run_scoped3A = tpu.sem_alloc : memref<!tpu.dma_semaphore, #tpu.memory_space<semaphore_mem>>
      %dma_start3A_54 = arith.constant 0 : i32
      %dma_start3A_55 = tpu.memref_slice %arg8[%arg0, %mul3A_0, %dma_start3A_54] : memref<2x10112x64xf32, #tpu.memory_space<hbm>> -> memref<1x632x64xf32, #tpu.memory_space<hbm>>
      %dma_start3A_56 = tpu.memref_squeeze %dma_start3A_55 : memref<1x632x64xf32, #tpu.memory_space<hbm>> -> memref<632x64xf32, #tpu.memory_space<hbm>>
      %dma_start3A_57 = arith.constant 0 : i32
      %dma_start3A_58 = tpu.memref_slice %arg18[%mul3A_0, %dma_start3A_57] : memref<10112x64xf32, #tpu.memory_space<vmem_shared>> -> memref<632x64xf32, #tpu.memory_space<vmem_shared>>
      tpu.enqueue_dma source(%dma_start3A_58 : memref<632x64xf32, #tpu.memory_space<vmem_shared>>) target(%dma_start3A_56 : memref<632x64xf32, #tpu.memory_space<hbm>>) target_semaphore(%run_scoped3A : memref<!tpu.dma_semaphore, #tpu.memory_space<semaphore_mem>>)
      %dma_wait3A_59 = arith.constant 0 : i32
      %dma_wait3A_60 = tpu.memref_slice %arg8[%arg0, %mul3A_0, %dma_wait3A_59] : memref<2x10112x64xf32, #tpu.memory_space<hbm>> -> memref<1x632x64xf32, #tpu.memory_space<hbm>>
      %dma_wait3A_61 = tpu.memref_squeeze %dma_wait3A_60 : memref<1x632x64xf32, #tpu.memory_space<hbm>> -> memref<632x64xf32, #tpu.memory_space<hbm>>
      %dma_wait3A_62 = arith.constant 0 : i32
      %dma_wait3A_63 = tpu.memref_slice %arg18[%mul3A_0, %dma_wait3A_62] : memref<10112x64xf32, #tpu.memory_space<vmem_shared>> -> memref<632x64xf32, #tpu.memory_space<vmem_shared>>
      tpu.wait_dma2 semaphore(%run_scoped3A : memref<!tpu.dma_semaphore, #tpu.memory_space<semaphore_mem>>) src(%dma_wait3A_63 : memref<632x64xf32, #tpu.memory_space<vmem_shared>>) dst(%dma_wait3A_61 : memref<632x64xf32, #tpu.memory_space<hbm>>)
      tpu.yield
    }) : () -> ()
    "tpu.region"() ({
      %run_scoped3A = tpu.sem_alloc : memref<!tpu.dma_semaphore, #tpu.memory_space<semaphore_mem>>
      %dma_start3A_54 = tpu.memref_slice %arg19[%mul3A_0] : memref<10112xf32, #tpu.memory_space<vmem_shared>> -> memref<632xf32, #tpu.memory_space<vmem_shared>>
      %dma_start3A_55 = tpu.memref_slice %arg19[%mul3A_0] : memref<10112xf32, #tpu.memory_space<vmem_shared>> -> memref<632xf32, #tpu.memory_space<vmem_shared>>
      tpu.enqueue_dma source(%dma_start3A_55 : memref<632xf32, #tpu.memory_space<vmem_shared>>) target(%arg16 : memref<632xf32, #tpu.memory_space<vmem>>) target_semaphore(%run_scoped3A : memref<!tpu.dma_semaphore, #tpu.memory_space<semaphore_mem>>)
      %dma_wait3A_56 = tpu.memref_slice %arg19[%mul3A_0] : memref<10112xf32, #tpu.memory_space<vmem_shared>> -> memref<632xf32, #tpu.memory_space<vmem_shared>>
      %dma_wait3A_57 = tpu.memref_slice %arg19[%mul3A_0] : memref<10112xf32, #tpu.memory_space<vmem_shared>> -> memref<632xf32, #tpu.memory_space<vmem_shared>>
      tpu.wait_dma2 semaphore(%run_scoped3A : memref<!tpu.dma_semaphore, #tpu.memory_space<semaphore_mem>>) src(%dma_wait3A_57 : memref<632xf32, #tpu.memory_space<vmem_shared>>) dst(%arg16 : memref<632xf32, #tpu.memory_space<vmem>>)
      tpu.yield
    }) : () -> ()
    %mul3A_50 = arith.constant 10112 : i32
    %mul3A_51 = arith.muli %arg0, %mul3A_50 : i32
    %mul3A_52 = arith.constant 632 : i32
    %mul3A_53 = arith.muli %arg1, %mul3A_52 : i32
    %add3A = arith.addi %mul3A_51, %mul3A_53 : i32
    "tpu.region"() ({
      %run_scoped3A = tpu.sem_alloc : memref<!tpu.dma_semaphore, #tpu.memory_space<semaphore_mem>>
      %dma_start3A_54 = tpu.memref_slice %arg9[%add3A] : memref<20224xf32, #tpu.memory_space<hbm>> -> memref<632xf32, #tpu.memory_space<hbm>>
      %dma_start3A_55 = tpu.memref_slice %arg9[%add3A] : memref<20224xf32, #tpu.memory_space<hbm>> -> memref<632xf32, #tpu.memory_space<hbm>>
      tpu.enqueue_dma source(%arg16 : memref<632xf32, #tpu.memory_space<vmem>>) target(%dma_start3A_55 : memref<632xf32, #tpu.memory_space<hbm>>) target_semaphore(%run_scoped3A : memref<!tpu.dma_semaphore, #tpu.memory_space<semaphore_mem>>)
      %dma_wait3A_56 = tpu.memref_slice %arg9[%add3A] : memref<20224xf32, #tpu.memory_space<hbm>> -> memref<632xf32, #tpu.memory_space<hbm>>
      %dma_wait3A_57 = tpu.memref_slice %arg9[%add3A] : memref<20224xf32, #tpu.memory_space<hbm>> -> memref<632xf32, #tpu.memory_space<hbm>>
      tpu.wait_dma2 semaphore(%run_scoped3A : memref<!tpu.dma_semaphore, #tpu.memory_space<semaphore_mem>>) src(%arg16 : memref<632xf32, #tpu.memory_space<vmem>>) dst(%dma_wait3A_57 : memref<632xf32, #tpu.memory_space<hbm>>)
      tpu.yield
    }) : () -> ()
    return
  }
}

#map = affine_map<(d0, d1) -> (0, 0, 0)>
#map1 = affine_map<(d0, d1) -> (0, 0)>
module attributes {stable_mosaic.version = 14 : i64} {
  func.func @_pass2_body(%arg0: i32, %arg1: i32, %arg2: memref<32x80x128xi32, #tpu.memory_space<hbm>>, %arg3: memref<32x80x128xi32, #tpu.memory_space<hbm>>, %arg4: memref<10112x48xf32, #tpu.memory_space<hbm>>, %arg5: memref<632x48xf32, #tpu.memory_space<hbm>>, %arg6: memref<2x10112x48xf32, #tpu.memory_space<hbm>>, %arg7: memref<80x128xi32, #tpu.memory_space<vmem>>, %arg8: memref<128xi32, #tpu.memory_space<vmem>>, %arg9: memref<128xi32, #tpu.memory_space<vmem>>, %arg10: memref<128x48xf32, #tpu.memory_space<vmem>>, %arg11: memref<128x48xf32, #tpu.memory_space<vmem>>, %arg12: memref<10112x48xf32, #tpu.memory_space<vmem_shared>>, %arg13: memref<10112x48xf32, #tpu.memory_space<vmem_shared>>, %arg14: memref<!tpu.dma_semaphore, #tpu.memory_space<semaphore_mem>>, %arg15: memref<!tpu.dma_semaphore, #tpu.memory_space<semaphore_mem>>, %arg16: memref<!tpu.dma_semaphore, #tpu.memory_space<semaphore_mem>>, %arg17: memref<!tpu.dma_semaphore, #tpu.memory_space<semaphore_mem>>) attributes {dimension_semantics = [#tpu.dimension_semantics<core_parallel>, #tpu.dimension_semantics<subcore_parallel>], iteration_bounds = array<i64: 2, 16>, scalar_prefetch = 0 : i64, scratch_operands = 11 : i64, tpu.core_type = #tpu.core_type<sc_vector_subcore>, window_params = [{transform_indices = #map}, {transform_indices = #map}, {transform_indices = #map1}, {transform_indices = #map1}, {transform_indices = #map}]} {
    %mul3A = arith.constant 2 : i32
    %mul3A_0 = arith.muli %arg1, %mul3A : i32
    %add3A = arith.addi %mul3A_0, %arg0 : i32
    %mul3A_1 = arith.constant 632 : i32
    %mul3A_2 = arith.muli %arg1, %mul3A_1 : i32
    "tpu.region"() ({
      %run_scoped3A = tpu.sem_alloc : memref<!tpu.dma_semaphore, #tpu.memory_space<semaphore_mem>>
      %dma_start3A_50 = arith.constant 0 : i32
      %dma_start3A_51 = tpu.memref_slice %arg13[%mul3A_2, %dma_start3A_50] : memref<10112x48xf32, #tpu.memory_space<vmem_shared>> -> memref<632x48xf32, #tpu.memory_space<vmem_shared>>
      tpu.enqueue_dma source(%arg5 : memref<632x48xf32, #tpu.memory_space<hbm>>) target(%dma_start3A_51 : memref<632x48xf32, #tpu.memory_space<vmem_shared>>) target_semaphore(%run_scoped3A : memref<!tpu.dma_semaphore, #tpu.memory_space<semaphore_mem>>)
      %dma_wait3A_52 = arith.constant 0 : i32
      %dma_wait3A_53 = tpu.memref_slice %arg13[%mul3A_2, %dma_wait3A_52] : memref<10112x48xf32, #tpu.memory_space<vmem_shared>> -> memref<632x48xf32, #tpu.memory_space<vmem_shared>>
      tpu.wait_dma2 semaphore(%run_scoped3A : memref<!tpu.dma_semaphore, #tpu.memory_space<semaphore_mem>>) src(%arg5 : memref<632x48xf32, #tpu.memory_space<hbm>>) dst(%dma_wait3A_53 : memref<632x48xf32, #tpu.memory_space<vmem_shared>>)
      tpu.yield
    }) : () -> ()
    "tpu.region"() ({
      %run_scoped3A = tpu.sem_alloc : memref<!tpu.dma_semaphore, #tpu.memory_space<semaphore_mem>>
      %dma_start3A_50 = arith.constant 0 : i32
      %dma_start3A_51 = tpu.memref_slice %arg12[%mul3A_2, %dma_start3A_50] : memref<10112x48xf32, #tpu.memory_space<vmem_shared>> -> memref<632x48xf32, #tpu.memory_space<vmem_shared>>
      %dma_start3A_52 = arith.constant 0 : i32
      %dma_start3A_53 = tpu.memref_slice %arg4[%mul3A_2, %dma_start3A_52] : memref<10112x48xf32, #tpu.memory_space<hbm>> -> memref<632x48xf32, #tpu.memory_space<hbm>>
      tpu.enqueue_dma source(%dma_start3A_53 : memref<632x48xf32, #tpu.memory_space<hbm>>) target(%dma_start3A_51 : memref<632x48xf32, #tpu.memory_space<vmem_shared>>) target_semaphore(%run_scoped3A : memref<!tpu.dma_semaphore, #tpu.memory_space<semaphore_mem>>)
      %dma_wait3A_54 = arith.constant 0 : i32
      %dma_wait3A_55 = tpu.memref_slice %arg12[%mul3A_2, %dma_wait3A_54] : memref<10112x48xf32, #tpu.memory_space<vmem_shared>> -> memref<632x48xf32, #tpu.memory_space<vmem_shared>>
      %dma_wait3A_56 = arith.constant 0 : i32
      %dma_wait3A_57 = tpu.memref_slice %arg4[%mul3A_2, %dma_wait3A_56] : memref<10112x48xf32, #tpu.memory_space<hbm>> -> memref<632x48xf32, #tpu.memory_space<hbm>>
      tpu.wait_dma2 semaphore(%run_scoped3A : memref<!tpu.dma_semaphore, #tpu.memory_space<semaphore_mem>>) src(%dma_wait3A_57 : memref<632x48xf32, #tpu.memory_space<hbm>>) dst(%dma_wait3A_55 : memref<632x48xf32, #tpu.memory_space<vmem_shared>>)
      tpu.yield
    }) : () -> ()
    "tpu.region"() ({
      %run_scoped3A = tpu.sem_alloc : memref<!tpu.dma_semaphore, #tpu.memory_space<semaphore_mem>>
      %dma_start3A_50 = arith.constant 0 : i32
      %dma_start3A_51 = arith.constant 0 : i32
      %dma_start3A_52 = tpu.memref_slice %arg2[%add3A, %dma_start3A_50, %dma_start3A_51] : memref<32x80x128xi32, #tpu.memory_space<hbm>> -> memref<1x80x128xi32, #tpu.memory_space<hbm>>
      %dma_start3A_53 = tpu.memref_squeeze %dma_start3A_52 : memref<1x80x128xi32, #tpu.memory_space<hbm>> -> memref<80x128xi32, #tpu.memory_space<hbm>>
      %dma_start3A_54 = arith.constant 0 : i32
      %dma_start3A_55 = arith.constant 0 : i32
      %dma_start3A_56 = tpu.memref_slice %arg2[%add3A, %dma_start3A_54, %dma_start3A_55] : memref<32x80x128xi32, #tpu.memory_space<hbm>> -> memref<1x80x128xi32, #tpu.memory_space<hbm>>
      %dma_start3A_57 = tpu.memref_squeeze %dma_start3A_56 : memref<1x80x128xi32, #tpu.memory_space<hbm>> -> memref<80x128xi32, #tpu.memory_space<hbm>>
      tpu.enqueue_dma source(%dma_start3A_57 : memref<80x128xi32, #tpu.memory_space<hbm>>) target(%arg7 : memref<80x128xi32, #tpu.memory_space<vmem>>) target_semaphore(%run_scoped3A : memref<!tpu.dma_semaphore, #tpu.memory_space<semaphore_mem>>)
      %dma_wait3A_58 = arith.constant 0 : i32
      %dma_wait3A_59 = arith.constant 0 : i32
      %dma_wait3A_60 = tpu.memref_slice %arg2[%add3A, %dma_wait3A_58, %dma_wait3A_59] : memref<32x80x128xi32, #tpu.memory_space<hbm>> -> memref<1x80x128xi32, #tpu.memory_space<hbm>>
      %dma_wait3A_61 = tpu.memref_squeeze %dma_wait3A_60 : memref<1x80x128xi32, #tpu.memory_space<hbm>> -> memref<80x128xi32, #tpu.memory_space<hbm>>
      %dma_wait3A_62 = arith.constant 0 : i32
      %dma_wait3A_63 = arith.constant 0 : i32
      %dma_wait3A_64 = tpu.memref_slice %arg2[%add3A, %dma_wait3A_62, %dma_wait3A_63] : memref<32x80x128xi32, #tpu.memory_space<hbm>> -> memref<1x80x128xi32, #tpu.memory_space<hbm>>
      %dma_wait3A_65 = tpu.memref_squeeze %dma_wait3A_64 : memref<1x80x128xi32, #tpu.memory_space<hbm>> -> memref<80x128xi32, #tpu.memory_space<hbm>>
      tpu.wait_dma2 semaphore(%run_scoped3A : memref<!tpu.dma_semaphore, #tpu.memory_space<semaphore_mem>>) src(%dma_wait3A_65 : memref<80x128xi32, #tpu.memory_space<hbm>>) dst(%arg7 : memref<80x128xi32, #tpu.memory_space<vmem>>)
      tpu.yield
    }) : () -> ()
    %barrier3A = arith.constant 0 : index
    tpu.barrier barrier_id(%barrier3A)
    %dma_start3A = arith.constant 0 : i32
    %dma_start3A_3 = arith.constant 0 : i32
    %dma_start3A_4 = tpu.memref_slice %arg3[%add3A, %dma_start3A, %dma_start3A_3] : memref<32x80x128xi32, #tpu.memory_space<hbm>> -> memref<1x1x128xi32, #tpu.memory_space<hbm>>
    %dma_start3A_5 = tpu.memref_squeeze %dma_start3A_4 : memref<1x1x128xi32, #tpu.memory_space<hbm>> -> memref<128xi32, #tpu.memory_space<hbm>>
    %dma_start3A_6 = arith.constant 0 : i32
    %dma_start3A_7 = tpu.memref_slice %arg3[%add3A, %dma_start3A, %dma_start3A_6] : memref<32x80x128xi32, #tpu.memory_space<hbm>> -> memref<1x1x128xi32, #tpu.memory_space<hbm>>
    %dma_start3A_8 = tpu.memref_squeeze %dma_start3A_7 : memref<1x1x128xi32, #tpu.memory_space<hbm>> -> memref<128xi32, #tpu.memory_space<hbm>>
    tpu.enqueue_dma source(%dma_start3A_8 : memref<128xi32, #tpu.memory_space<hbm>>) target(%arg8 : memref<128xi32, #tpu.memory_space<vmem>>) target_semaphore(%arg16 : memref<!tpu.dma_semaphore, #tpu.memory_space<semaphore_mem>>)
    %dma_start3A_9 = arith.constant 1 : i32
    %dma_start3A_10 = arith.constant 0 : i32
    %dma_start3A_11 = tpu.memref_slice %arg3[%add3A, %dma_start3A_9, %dma_start3A_10] : memref<32x80x128xi32, #tpu.memory_space<hbm>> -> memref<1x1x128xi32, #tpu.memory_space<hbm>>
    %dma_start3A_12 = tpu.memref_squeeze %dma_start3A_11 : memref<1x1x128xi32, #tpu.memory_space<hbm>> -> memref<128xi32, #tpu.memory_space<hbm>>
    %dma_start3A_13 = arith.constant 0 : i32
    %dma_start3A_14 = tpu.memref_slice %arg3[%add3A, %dma_start3A_9, %dma_start3A_13] : memref<32x80x128xi32, #tpu.memory_space<hbm>> -> memref<1x1x128xi32, #tpu.memory_space<hbm>>
    %dma_start3A_15 = tpu.memref_squeeze %dma_start3A_14 : memref<1x1x128xi32, #tpu.memory_space<hbm>> -> memref<128xi32, #tpu.memory_space<hbm>>
    tpu.enqueue_dma source(%dma_start3A_15 : memref<128xi32, #tpu.memory_space<hbm>>) target(%arg9 : memref<128xi32, #tpu.memory_space<vmem>>) target_semaphore(%arg17 : memref<!tpu.dma_semaphore, #tpu.memory_space<semaphore_mem>>)
    %dma_start3A_16 = arith.constant 0 : i32
    %dma_start3A_17 = arith.constant 0 : i32
    %dma_start3A_18 = tpu.memref_slice %arg7[%dma_start3A_16, %dma_start3A_17] : memref<80x128xi32, #tpu.memory_space<vmem>> -> memref<1x128xi32, #tpu.memory_space<vmem>>
    %dma_start3A_19 = tpu.memref_squeeze %dma_start3A_18 : memref<1x128xi32, #tpu.memory_space<vmem>> -> memref<128xi32, #tpu.memory_space<vmem>>
    %dma_start3A_20 = arith.constant 0 : i32
    %dma_start3A_21 = arith.constant 0 : i32
    %dma_start3A_22 = tpu.memref_slice %arg12[%dma_start3A_20, %dma_start3A_21] : memref<10112x48xf32, #tpu.memory_space<vmem_shared>> -> memref<10112x48xf32, #tpu.memory_space<vmem_shared>>
    tpu.enqueue_indirect_dma source(%dma_start3A_22 : memref<10112x48xf32, #tpu.memory_space<vmem_shared>>) target(%arg10 : memref<128x48xf32, #tpu.memory_space<vmem>>) offsets(%dma_start3A_19 : memref<128xi32, #tpu.memory_space<vmem>>) semaphore(%arg14 : memref<!tpu.dma_semaphore, #tpu.memory_space<semaphore_mem>>)
    %scan3A = arith.constant 0 : i32
    %scan3A_23 = arith.constant 0 : i32
    %scan3A_24 = arith.constant 40 : i32
    %scan3A_25 = arith.addi %scan3A_23, %scan3A_24 : i32
    %scan3A_26 = arith.constant 1 : i32
    %scan3A_27 = scf.for %scan3A_50 = %scan3A_23 to %scan3A_25 step %scan3A_26 iter_args(%scan3A_51 = %scan3A) -> (i32)  : i32 {
      %mul3A_52 = arith.constant 2 : i32
      %mul3A_53 = arith.muli %mul3A_52, %scan3A_50 : i32
      %add3A_54 = arith.constant 1 : i32
      %add3A_55 = arith.addi %mul3A_53, %add3A_54 : i32
      %add3A_56 = arith.constant 2 : i32
      %add3A_57 = arith.addi %mul3A_53, %add3A_56 : i32
      %min3A = arith.constant 79 : i32
      %min3A_58 = arith.minsi %add3A_57, %min3A : i32
      %add3A_59 = arith.constant 3 : i32
      %add3A_60 = arith.addi %mul3A_53, %add3A_59 : i32
      %min3A_61 = arith.constant 79 : i32
      %min3A_62 = arith.minsi %add3A_60, %min3A_61 : i32
      %dma_start3A_63 = arith.constant 0 : i32
      %dma_start3A_64 = tpu.memref_slice %arg7[%add3A_55, %dma_start3A_63] : memref<80x128xi32, #tpu.memory_space<vmem>> -> memref<1x128xi32, #tpu.memory_space<vmem>>
      %dma_start3A_65 = tpu.memref_squeeze %dma_start3A_64 : memref<1x128xi32, #tpu.memory_space<vmem>> -> memref<128xi32, #tpu.memory_space<vmem>>
      %dma_start3A_66 = arith.constant 0 : i32
      %dma_start3A_67 = arith.constant 0 : i32
      %dma_start3A_68 = tpu.memref_slice %arg12[%dma_start3A_66, %dma_start3A_67] : memref<10112x48xf32, #tpu.memory_space<vmem_shared>> -> memref<10112x48xf32, #tpu.memory_space<vmem_shared>>
      tpu.enqueue_indirect_dma source(%dma_start3A_68 : memref<10112x48xf32, #tpu.memory_space<vmem_shared>>) target(%arg11 : memref<128x48xf32, #tpu.memory_space<vmem>>) offsets(%dma_start3A_65 : memref<128xi32, #tpu.memory_space<vmem>>) semaphore(%arg15 : memref<!tpu.dma_semaphore, #tpu.memory_space<semaphore_mem>>)
      %dma_wait3A_69 = arith.constant 0 : i32
      %dma_wait3A_70 = tpu.memref_slice %arg7[%mul3A_53, %dma_wait3A_69] : memref<80x128xi32, #tpu.memory_space<vmem>> -> memref<1x128xi32, #tpu.memory_space<vmem>>
      %dma_wait3A_71 = tpu.memref_squeeze %dma_wait3A_70 : memref<1x128xi32, #tpu.memory_space<vmem>> -> memref<128xi32, #tpu.memory_space<vmem>>
      %dma_wait3A_72 = arith.constant 0 : i32
      %dma_wait3A_73 = arith.constant 0 : i32
      %dma_wait3A_74 = tpu.memref_slice %arg12[%dma_wait3A_72, %dma_wait3A_73] : memref<10112x48xf32, #tpu.memory_space<vmem_shared>> -> memref<10112x48xf32, #tpu.memory_space<vmem_shared>>
      tpu.wait_indirect_dma semaphore(%arg14 : memref<!tpu.dma_semaphore, #tpu.memory_space<semaphore_mem>>) src(%dma_wait3A_74 : memref<10112x48xf32, #tpu.memory_space<vmem_shared>>) dst(%arg10 : memref<128x48xf32, #tpu.memory_space<vmem>>)
      %dma_wait3A_75 = arith.constant 0 : i32
      %dma_wait3A_76 = tpu.memref_slice %arg3[%add3A, %mul3A_53, %dma_wait3A_75] : memref<32x80x128xi32, #tpu.memory_space<hbm>> -> memref<1x1x128xi32, #tpu.memory_space<hbm>>
      %dma_wait3A_77 = tpu.memref_squeeze %dma_wait3A_76 : memref<1x1x128xi32, #tpu.memory_space<hbm>> -> memref<128xi32, #tpu.memory_space<hbm>>
      %dma_wait3A_78 = arith.constant 0 : i32
      %dma_wait3A_79 = tpu.memref_slice %arg3[%add3A, %mul3A_53, %dma_wait3A_78] : memref<32x80x128xi32, #tpu.memory_space<hbm>> -> memref<1x1x128xi32, #tpu.memory_space<hbm>>
      %dma_wait3A_80 = tpu.memref_squeeze %dma_wait3A_79 : memref<1x1x128xi32, #tpu.memory_space<hbm>> -> memref<128xi32, #tpu.memory_space<hbm>>
      tpu.wait_dma2 semaphore(%arg16 : memref<!tpu.dma_semaphore, #tpu.memory_space<semaphore_mem>>) src(%dma_wait3A_80 : memref<128xi32, #tpu.memory_space<hbm>>) dst(%arg8 : memref<128xi32, #tpu.memory_space<vmem>>)
      "tpu.region"() ({
        %run_scoped3A = tpu.sem_alloc : memref<!tpu.dma_semaphore, #tpu.memory_space<semaphore_mem>>
        %dma_start3A_112 = arith.constant 0 : i32
        %dma_start3A_113 = arith.constant 0 : i32
        %dma_start3A_114 = tpu.memref_slice %arg13[%dma_start3A_112, %dma_start3A_113] : memref<10112x48xf32, #tpu.memory_space<vmem_shared>> -> memref<10112x48xf32, #tpu.memory_space<vmem_shared>>
        tpu.enqueue_indirect_dma source(%arg10 : memref<128x48xf32, #tpu.memory_space<vmem>>) target(%dma_start3A_114 : memref<10112x48xf32, #tpu.memory_space<vmem_shared>>) offsets(%arg8 : memref<128xi32, #tpu.memory_space<vmem>>) semaphore(%run_scoped3A : memref<!tpu.dma_semaphore, #tpu.memory_space<semaphore_mem>>) {add = true}
        %dma_wait3A_115 = arith.constant 0 : i32
        %dma_wait3A_116 = arith.constant 0 : i32
        %dma_wait3A_117 = tpu.memref_slice %arg13[%dma_wait3A_115, %dma_wait3A_116] : memref<10112x48xf32, #tpu.memory_space<vmem_shared>> -> memref<10112x48xf32, #tpu.memory_space<vmem_shared>>
        tpu.wait_indirect_dma semaphore(%run_scoped3A : memref<!tpu.dma_semaphore, #tpu.memory_space<semaphore_mem>>) src(%arg10 : memref<128x48xf32, #tpu.memory_space<vmem>>) dst(%dma_wait3A_117 : memref<10112x48xf32, #tpu.memory_space<vmem_shared>>)
        tpu.yield
      }) : () -> ()
      %dma_start3A_81 = arith.constant 0 : i32
      %dma_start3A_82 = tpu.memref_slice %arg7[%min3A_58, %dma_start3A_81] : memref<80x128xi32, #tpu.memory_space<vmem>> -> memref<1x128xi32, #tpu.memory_space<vmem>>
      %dma_start3A_83 = tpu.memref_squeeze %dma_start3A_82 : memref<1x128xi32, #tpu.memory_space<vmem>> -> memref<128xi32, #tpu.memory_space<vmem>>
      %dma_start3A_84 = arith.constant 0 : i32
      %dma_start3A_85 = arith.constant 0 : i32
      %dma_start3A_86 = tpu.memref_slice %arg12[%dma_start3A_84, %dma_start3A_85] : memref<10112x48xf32, #tpu.memory_space<vmem_shared>> -> memref<10112x48xf32, #tpu.memory_space<vmem_shared>>
      tpu.enqueue_indirect_dma source(%dma_start3A_86 : memref<10112x48xf32, #tpu.memory_space<vmem_shared>>) target(%arg10 : memref<128x48xf32, #tpu.memory_space<vmem>>) offsets(%dma_start3A_83 : memref<128xi32, #tpu.memory_space<vmem>>) semaphore(%arg14 : memref<!tpu.dma_semaphore, #tpu.memory_space<semaphore_mem>>)
      %dma_start3A_87 = arith.constant 0 : i32
      %dma_start3A_88 = tpu.memref_slice %arg3[%add3A, %min3A_58, %dma_start3A_87] : memref<32x80x128xi32, #tpu.memory_space<hbm>> -> memref<1x1x128xi32, #tpu.memory_space<hbm>>
      %dma_start3A_89 = tpu.memref_squeeze %dma_start3A_88 : memref<1x1x128xi32, #tpu.memory_space<hbm>> -> memref<128xi32, #tpu.memory_space<hbm>>
      %dma_start3A_90 = arith.constant 0 : i32
      %dma_start3A_91 = tpu.memref_slice %arg3[%add3A, %min3A_58, %dma_start3A_90] : memref<32x80x128xi32, #tpu.memory_space<hbm>> -> memref<1x1x128xi32, #tpu.memory_space<hbm>>
      %dma_start3A_92 = tpu.memref_squeeze %dma_start3A_91 : memref<1x1x128xi32, #tpu.memory_space<hbm>> -> memref<128xi32, #tpu.memory_space<hbm>>
      tpu.enqueue_dma source(%dma_start3A_92 : memref<128xi32, #tpu.memory_space<hbm>>) target(%arg8 : memref<128xi32, #tpu.memory_space<vmem>>) target_semaphore(%arg16 : memref<!tpu.dma_semaphore, #tpu.memory_space<semaphore_mem>>)
      %dma_wait3A_93 = arith.constant 0 : i32
      %dma_wait3A_94 = tpu.memref_slice %arg7[%add3A_55, %dma_wait3A_93] : memref<80x128xi32, #tpu.memory_space<vmem>> -> memref<1x128xi32, #tpu.memory_space<vmem>>
      %dma_wait3A_95 = tpu.memref_squeeze %dma_wait3A_94 : memref<1x128xi32, #tpu.memory_space<vmem>> -> memref<128xi32, #tpu.memory_space<vmem>>
      %dma_wait3A_96 = arith.constant 0 : i32
      %dma_wait3A_97 = arith.constant 0 : i32
      %dma_wait3A_98 = tpu.memref_slice %arg12[%dma_wait3A_96, %dma_wait3A_97] : memref<10112x48xf32, #tpu.memory_space<vmem_shared>> -> memref<10112x48xf32, #tpu.memory_space<vmem_shared>>
      tpu.wait_indirect_dma semaphore(%arg15 : memref<!tpu.dma_semaphore, #tpu.memory_space<semaphore_mem>>) src(%dma_wait3A_98 : memref<10112x48xf32, #tpu.memory_space<vmem_shared>>) dst(%arg11 : memref<128x48xf32, #tpu.memory_space<vmem>>)
      %dma_wait3A_99 = arith.constant 0 : i32
      %dma_wait3A_100 = tpu.memref_slice %arg3[%add3A, %add3A_55, %dma_wait3A_99] : memref<32x80x128xi32, #tpu.memory_space<hbm>> -> memref<1x1x128xi32, #tpu.memory_space<hbm>>
      %dma_wait3A_101 = tpu.memref_squeeze %dma_wait3A_100 : memref<1x1x128xi32, #tpu.memory_space<hbm>> -> memref<128xi32, #tpu.memory_space<hbm>>
      %dma_wait3A_102 = arith.constant 0 : i32
      %dma_wait3A_103 = tpu.memref_slice %arg3[%add3A, %add3A_55, %dma_wait3A_102] : memref<32x80x128xi32, #tpu.memory_space<hbm>> -> memref<1x1x128xi32, #tpu.memory_space<hbm>>
      %dma_wait3A_104 = tpu.memref_squeeze %dma_wait3A_103 : memref<1x1x128xi32, #tpu.memory_space<hbm>> -> memref<128xi32, #tpu.memory_space<hbm>>
      tpu.wait_dma2 semaphore(%arg17 : memref<!tpu.dma_semaphore, #tpu.memory_space<semaphore_mem>>) src(%dma_wait3A_104 : memref<128xi32, #tpu.memory_space<hbm>>) dst(%arg9 : memref<128xi32, #tpu.memory_space<vmem>>)
      "tpu.region"() ({
        %run_scoped3A = tpu.sem_alloc : memref<!tpu.dma_semaphore, #tpu.memory_space<semaphore_mem>>
        %dma_start3A_112 = arith.constant 0 : i32
        %dma_start3A_113 = arith.constant 0 : i32
        %dma_start3A_114 = tpu.memref_slice %arg13[%dma_start3A_112, %dma_start3A_113] : memref<10112x48xf32, #tpu.memory_space<vmem_shared>> -> memref<10112x48xf32, #tpu.memory_space<vmem_shared>>
        tpu.enqueue_indirect_dma source(%arg11 : memref<128x48xf32, #tpu.memory_space<vmem>>) target(%dma_start3A_114 : memref<10112x48xf32, #tpu.memory_space<vmem_shared>>) offsets(%arg9 : memref<128xi32, #tpu.memory_space<vmem>>) semaphore(%run_scoped3A : memref<!tpu.dma_semaphore, #tpu.memory_space<semaphore_mem>>) {add = true}
        %dma_wait3A_115 = arith.constant 0 : i32
        %dma_wait3A_116 = arith.constant 0 : i32
        %dma_wait3A_117 = tpu.memref_slice %arg13[%dma_wait3A_115, %dma_wait3A_116] : memref<10112x48xf32, #tpu.memory_space<vmem_shared>> -> memref<10112x48xf32, #tpu.memory_space<vmem_shared>>
        tpu.wait_indirect_dma semaphore(%run_scoped3A : memref<!tpu.dma_semaphore, #tpu.memory_space<semaphore_mem>>) src(%arg11 : memref<128x48xf32, #tpu.memory_space<vmem>>) dst(%dma_wait3A_117 : memref<10112x48xf32, #tpu.memory_space<vmem_shared>>)
        tpu.yield
      }) : () -> ()
      %dma_start3A_105 = arith.constant 0 : i32
      %dma_start3A_106 = tpu.memref_slice %arg3[%add3A, %min3A_62, %dma_start3A_105] : memref<32x80x128xi32, #tpu.memory_space<hbm>> -> memref<1x1x128xi32, #tpu.memory_space<hbm>>
      %dma_start3A_107 = tpu.memref_squeeze %dma_start3A_106 : memref<1x1x128xi32, #tpu.memory_space<hbm>> -> memref<128xi32, #tpu.memory_space<hbm>>
      %dma_start3A_108 = arith.constant 0 : i32
      %dma_start3A_109 = tpu.memref_slice %arg3[%add3A, %min3A_62, %dma_start3A_108] : memref<32x80x128xi32, #tpu.memory_space<hbm>> -> memref<1x1x128xi32, #tpu.memory_space<hbm>>
      %dma_start3A_110 = tpu.memref_squeeze %dma_start3A_109 : memref<1x1x128xi32, #tpu.memory_space<hbm>> -> memref<128xi32, #tpu.memory_space<hbm>>
      tpu.enqueue_dma source(%dma_start3A_110 : memref<128xi32, #tpu.memory_space<hbm>>) target(%arg9 : memref<128xi32, #tpu.memory_space<vmem>>) target_semaphore(%arg17 : memref<!tpu.dma_semaphore, #tpu.memory_space<semaphore_mem>>)
      %scan3A_111 = arith.constant 0 : i32
      scf.yield %scan3A_111 : i32
    }
    %scan3A_28 = arith.constant 40 : i32
    %dma_wait3A = arith.constant 79 : i32
    %dma_wait3A_29 = arith.constant 0 : i32
    %dma_wait3A_30 = tpu.memref_slice %arg7[%dma_wait3A, %dma_wait3A_29] : memref<80x128xi32, #tpu.memory_space<vmem>> -> memref<1x128xi32, #tpu.memory_space<vmem>>
    %dma_wait3A_31 = tpu.memref_squeeze %dma_wait3A_30 : memref<1x128xi32, #tpu.memory_space<vmem>> -> memref<128xi32, #tpu.memory_space<vmem>>
    %dma_wait3A_32 = arith.constant 0 : i32
    %dma_wait3A_33 = arith.constant 0 : i32
    %dma_wait3A_34 = tpu.memref_slice %arg12[%dma_wait3A_32, %dma_wait3A_33] : memref<10112x48xf32, #tpu.memory_space<vmem_shared>> -> memref<10112x48xf32, #tpu.memory_space<vmem_shared>>
    tpu.wait_indirect_dma semaphore(%arg14 : memref<!tpu.dma_semaphore, #tpu.memory_space<semaphore_mem>>) src(%dma_wait3A_34 : memref<10112x48xf32, #tpu.memory_space<vmem_shared>>) dst(%arg10 : memref<128x48xf32, #tpu.memory_space<vmem>>)
    %dma_wait3A_35 = arith.constant 79 : i32
    %dma_wait3A_36 = arith.constant 0 : i32
    %dma_wait3A_37 = tpu.memref_slice %arg3[%add3A, %dma_wait3A_35, %dma_wait3A_36] : memref<32x80x128xi32, #tpu.memory_space<hbm>> -> memref<1x1x128xi32, #tpu.memory_space<hbm>>
    %dma_wait3A_38 = tpu.memref_squeeze %dma_wait3A_37 : memref<1x1x128xi32, #tpu.memory_space<hbm>> -> memref<128xi32, #tpu.memory_space<hbm>>
    %dma_wait3A_39 = arith.constant 0 : i32
    %dma_wait3A_40 = tpu.memref_slice %arg3[%add3A, %dma_wait3A_35, %dma_wait3A_39] : memref<32x80x128xi32, #tpu.memory_space<hbm>> -> memref<1x1x128xi32, #tpu.memory_space<hbm>>
    %dma_wait3A_41 = tpu.memref_squeeze %dma_wait3A_40 : memref<1x1x128xi32, #tpu.memory_space<hbm>> -> memref<128xi32, #tpu.memory_space<hbm>>
    tpu.wait_dma2 semaphore(%arg16 : memref<!tpu.dma_semaphore, #tpu.memory_space<semaphore_mem>>) src(%dma_wait3A_41 : memref<128xi32, #tpu.memory_space<hbm>>) dst(%arg8 : memref<128xi32, #tpu.memory_space<vmem>>)
    %dma_wait3A_42 = arith.constant 79 : i32
    %dma_wait3A_43 = arith.constant 0 : i32
    %dma_wait3A_44 = tpu.memref_slice %arg3[%add3A, %dma_wait3A_42, %dma_wait3A_43] : memref<32x80x128xi32, #tpu.memory_space<hbm>> -> memref<1x1x128xi32, #tpu.memory_space<hbm>>
    %dma_wait3A_45 = tpu.memref_squeeze %dma_wait3A_44 : memref<1x1x128xi32, #tpu.memory_space<hbm>> -> memref<128xi32, #tpu.memory_space<hbm>>
    %dma_wait3A_46 = arith.constant 0 : i32
    %dma_wait3A_47 = tpu.memref_slice %arg3[%add3A, %dma_wait3A_42, %dma_wait3A_46] : memref<32x80x128xi32, #tpu.memory_space<hbm>> -> memref<1x1x128xi32, #tpu.memory_space<hbm>>
    %dma_wait3A_48 = tpu.memref_squeeze %dma_wait3A_47 : memref<1x1x128xi32, #tpu.memory_space<hbm>> -> memref<128xi32, #tpu.memory_space<hbm>>
    tpu.wait_dma2 semaphore(%arg17 : memref<!tpu.dma_semaphore, #tpu.memory_space<semaphore_mem>>) src(%dma_wait3A_48 : memref<128xi32, #tpu.memory_space<hbm>>) dst(%arg9 : memref<128xi32, #tpu.memory_space<vmem>>)
    %barrier3A_49 = arith.constant 0 : index
    tpu.barrier barrier_id(%barrier3A_49)
    "tpu.region"() ({
      %run_scoped3A = tpu.sem_alloc : memref<!tpu.dma_semaphore, #tpu.memory_space<semaphore_mem>>
      %dma_start3A_50 = arith.constant 0 : i32
      %dma_start3A_51 = tpu.memref_slice %arg6[%arg0, %mul3A_2, %dma_start3A_50] : memref<2x10112x48xf32, #tpu.memory_space<hbm>> -> memref<1x632x48xf32, #tpu.memory_space<hbm>>
      %dma_start3A_52 = tpu.memref_squeeze %dma_start3A_51 : memref<1x632x48xf32, #tpu.memory_space<hbm>> -> memref<632x48xf32, #tpu.memory_space<hbm>>
      %dma_start3A_53 = arith.constant 0 : i32
      %dma_start3A_54 = tpu.memref_slice %arg13[%mul3A_2, %dma_start3A_53] : memref<10112x48xf32, #tpu.memory_space<vmem_shared>> -> memref<632x48xf32, #tpu.memory_space<vmem_shared>>
      tpu.enqueue_dma source(%dma_start3A_54 : memref<632x48xf32, #tpu.memory_space<vmem_shared>>) target(%dma_start3A_52 : memref<632x48xf32, #tpu.memory_space<hbm>>) target_semaphore(%run_scoped3A : memref<!tpu.dma_semaphore, #tpu.memory_space<semaphore_mem>>)
      %dma_wait3A_55 = arith.constant 0 : i32
      %dma_wait3A_56 = tpu.memref_slice %arg6[%arg0, %mul3A_2, %dma_wait3A_55] : memref<2x10112x48xf32, #tpu.memory_space<hbm>> -> memref<1x632x48xf32, #tpu.memory_space<hbm>>
      %dma_wait3A_57 = tpu.memref_squeeze %dma_wait3A_56 : memref<1x632x48xf32, #tpu.memory_space<hbm>> -> memref<632x48xf32, #tpu.memory_space<hbm>>
      %dma_wait3A_58 = arith.constant 0 : i32
      %dma_wait3A_59 = tpu.memref_slice %arg13[%mul3A_2, %dma_wait3A_58] : memref<10112x48xf32, #tpu.memory_space<vmem_shared>> -> memref<632x48xf32, #tpu.memory_space<vmem_shared>>
      tpu.wait_dma2 semaphore(%run_scoped3A : memref<!tpu.dma_semaphore, #tpu.memory_space<semaphore_mem>>) src(%dma_wait3A_59 : memref<632x48xf32, #tpu.memory_space<vmem_shared>>) dst(%dma_wait3A_57 : memref<632x48xf32, #tpu.memory_space<hbm>>)
      tpu.yield
    }) : () -> ()
    return
  }
}

module attributes {stable_mosaic.version = 14 : i64} {
  func.func @_tc1_body(%arg0: i32, %arg1: memref<1x1264x64xf32, #tpu.memory_space<vmem>>, %arg2: memref<1x1264x64xf32, #tpu.memory_space<vmem>>, %arg3: memref<1x1264x1xf32, #tpu.memory_space<vmem>>, %arg4: memref<1x1264x1xf32, #tpu.memory_space<vmem>>, %arg5: memref<1264x128xf32, #tpu.memory_space<vmem>>, %arg6: memref<128x128xf32, #tpu.memory_space<vmem>>, %arg7: memref<128x128xf32, #tpu.memory_space<vmem>>, %arg8: memref<1x128xf32, #tpu.memory_space<vmem>>, %arg9: memref<128x48xf32, #tpu.memory_space<vmem>>, %arg10: memref<1264x128xf32, #tpu.memory_space<vmem>>, %arg11: memref<1264x48xf32, #tpu.memory_space<vmem>>) attributes {dimension_semantics = [#tpu.dimension_semantics<arbitrary>], iteration_bounds = array<i64: 8>, scalar_prefetch = 0 : i64, scratch_operands = 0 : i64, tpu.core_type = #tpu.core_type<tc>, window_params = [{transform_indices = @transform_0, window_bounds = array<i64: 1, 1264, 64>}, {transform_indices = @transform_1, window_bounds = array<i64: 1, 1264, 64>}, {transform_indices = @transform_2, window_bounds = array<i64: 1, 1264, 1>}, {transform_indices = @transform_3, window_bounds = array<i64: 1, 1264, 1>}, {transform_indices = @transform_4, window_bounds = array<i64: 1264, 128>}, {pipeline_mode = #tpu.pipeline_mode<synchronous>, transform_indices = @transform_5, window_bounds = array<i64: 128, 128>}, {pipeline_mode = #tpu.pipeline_mode<synchronous>, transform_indices = @transform_6, window_bounds = array<i64: 128, 128>}, {pipeline_mode = #tpu.pipeline_mode<synchronous>, transform_indices = @transform_7, window_bounds = array<i64: 1, 128>}, {pipeline_mode = #tpu.pipeline_mode<synchronous>, transform_indices = @transform_8, window_bounds = array<i64: 128, 48>}, {transform_indices = @transform_9, window_bounds = array<i64: 1264, 128>}, {transform_indices = @transform_10, window_bounds = array<i64: 1264, 48>}]} {
    %get3A = arith.constant 0 : index
    %get3A_0 = arith.constant 0 : index
    %get3A_1 = arith.constant 0 : index
    %get3A_2 = vector.load %arg3[%get3A, %get3A_0, %get3A_1] : memref<1x1264x1xf32, #tpu.memory_space<vmem>>, vector<1x1264x1xf32>
    %get3A_3 = vector.shape_cast %get3A_2 : vector<1x1264x1xf32> to vector<1264x1xf32>
    %get3A_4 = arith.constant 0 : index
    %get3A_5 = arith.constant 0 : index
    %get3A_6 = arith.constant 0 : index
    %get3A_7 = vector.load %arg4[%get3A_4, %get3A_5, %get3A_6] : memref<1x1264x1xf32, #tpu.memory_space<vmem>>, vector<1x1264x1xf32>
    %get3A_8 = vector.shape_cast %get3A_7 : vector<1x1264x1xf32> to vector<1264x1xf32>
    %add3A = arith.addf %get3A_3, %get3A_8 : vector<1264x1xf32>
    %max3A = arith.constant 1.000000e+00 : f32
    %max3A_9 = vector.broadcast %max3A : f32 to vector<1264x1xf32>
    %max3A_10 = arith.maximumf %add3A, %max3A_9 : vector<1264x1xf32>
    %get3A_11 = arith.constant 0 : index
    %get3A_12 = arith.constant 0 : index
    %get3A_13 = arith.constant 0 : index
    %get3A_14 = vector.load %arg1[%get3A_11, %get3A_12, %get3A_13] : memref<1x1264x64xf32, #tpu.memory_space<vmem>>, vector<1x1264x64xf32>
    %get3A_15 = vector.shape_cast %get3A_14 : vector<1x1264x64xf32> to vector<1264x64xf32>
    %get3A_16 = arith.constant 0 : index
    %get3A_17 = arith.constant 0 : index
    %get3A_18 = arith.constant 0 : index
    %get3A_19 = vector.load %arg2[%get3A_16, %get3A_17, %get3A_18] : memref<1x1264x64xf32, #tpu.memory_space<vmem>>, vector<1x1264x64xf32>
    %get3A_20 = vector.shape_cast %get3A_19 : vector<1x1264x64xf32> to vector<1264x64xf32>
    %concatenate3A = tpu.concatenate %get3A_15, %get3A_20 in 1 : vector<1264x64xf32>, vector<1264x64xf32> -> vector<1264x128xf32>
    %div3A = vector.broadcast %max3A_10 : vector<1264x1xf32> to vector<1264x128xf32>
    %div3A_21 = arith.divf %concatenate3A, %div3A : vector<1264x128xf32>
    %get3A_22 = arith.constant 0 : index
    %get3A_23 = arith.constant 0 : index
    %get3A_24 = vector.load %arg6[%get3A_22, %get3A_23] : memref<128x128xf32, #tpu.memory_space<vmem>>, vector<128x128xf32>
    %dot_general3A = arith.constant dense<0.000000e+00> : vector<1264x128xf32>
    %dot_general3A_25 = tpu.matmul %div3A_21, %get3A_24, %dot_general3A {dimension_numbers = #tpu.dot_dimension_numbers<[1], [0], [0], [1], [0, 0, 1, 1], [], []>, transpose_lhs_hint = false} : vector<1264x128xf32>, vector<128x128xf32>, vector<1264x128xf32> -> vector<1264x128xf32>
    %get3A_26 = arith.constant 0 : index
    %get3A_27 = arith.constant 0 : index
    %get3A_28 = vector.load %arg5[%get3A_26, %get3A_27] : memref<1264x128xf32, #tpu.memory_space<vmem>>, vector<1264x128xf32>
    %get3A_29 = arith.constant 0 : index
    %get3A_30 = arith.constant 0 : index
    %get3A_31 = vector.load %arg7[%get3A_29, %get3A_30] : memref<128x128xf32, #tpu.memory_space<vmem>>, vector<128x128xf32>
    %dot_general3A_32 = arith.constant dense<0.000000e+00> : vector<1264x128xf32>
    %dot_general3A_33 = tpu.matmul %get3A_28, %get3A_31, %dot_general3A_32 {dimension_numbers = #tpu.dot_dimension_numbers<[1], [0], [0], [1], [0, 0, 1, 1], [], []>, transpose_lhs_hint = false} : vector<1264x128xf32>, vector<128x128xf32>, vector<1264x128xf32> -> vector<1264x128xf32>
    %add3A_34 = arith.addf %dot_general3A_25, %dot_general3A_33 : vector<1264x128xf32>
    %get3A_35 = arith.constant 0 : index
    %get3A_36 = arith.constant 0 : index
    %get3A_37 = vector.load %arg8[%get3A_35, %get3A_36] : memref<1x128xf32, #tpu.memory_space<vmem>>, vector<1x128xf32>
    %add3A_38 = vector.broadcast %get3A_37 : vector<1x128xf32> to vector<1264x128xf32>
    %add3A_39 = arith.addf %add3A_34, %add3A_38 : vector<1264x128xf32>
    %max3A_40 = arith.constant 0.000000e+00 : f32
    %max3A_41 = vector.broadcast %max3A_40 : f32 to vector<1264x128xf32>
    %max3A_42 = arith.maximumf %add3A_39, %max3A_41 : vector<1264x128xf32>
    %swap3A = arith.constant 0 : index
    %swap3A_43 = arith.constant 0 : index
    %swap3A_44 = vector.load %arg10[%swap3A, %swap3A_43] : memref<1264x128xf32, #tpu.memory_space<vmem>>, vector<1264x128xf32>
    tpu.vector_store %arg10[%swap3A, %swap3A_43], %max3A_42 {strides = array<i32>} : memref<1264x128xf32, #tpu.memory_space<vmem>>, vector<1264x128xf32>,
    %get3A_45 = arith.constant 0 : index
    %get3A_46 = arith.constant 0 : index
    %get3A_47 = vector.load %arg9[%get3A_45, %get3A_46] : memref<128x48xf32, #tpu.memory_space<vmem>>, vector<128x48xf32>
    %dot_general3A_48 = arith.constant dense<0.000000e+00> : vector<1264x48xf32>
    %dot_general3A_49 = tpu.matmul %max3A_42, %get3A_47, %dot_general3A_48 {dimension_numbers = #tpu.dot_dimension_numbers<[1], [0], [0], [1], [0, 0, 1, 1], [], []>, transpose_lhs_hint = false} : vector<1264x128xf32>, vector<128x48xf32>, vector<1264x48xf32> -> vector<1264x48xf32>
    %swap3A_50 = arith.constant 0 : index
    %swap3A_51 = arith.constant 0 : index
    %swap3A_52 = vector.load %arg11[%swap3A_50, %swap3A_51] : memref<1264x48xf32, #tpu.memory_space<vmem>>, vector<1264x48xf32>
    tpu.vector_store %arg11[%swap3A_50, %swap3A_51], %dot_general3A_49 {strides = array<i32>} : memref<1264x48xf32, #tpu.memory_space<vmem>>, vector<1264x48xf32>,
    return
  }
  func.func @transform_0(%arg0: i32) -> (i32, i32, i32) {
    %c0_i32 = arith.constant 0 : i32
    %c0_i32_0 = arith.constant 0 : i32
    %c0_i32_1 = arith.constant 0 : i32
    return %c0_i32, %arg0, %c0_i32_0 : i32, i32, i32
  }
  func.func @transform_1(%arg0: i32) -> (i32, i32, i32) {
    %c1_i32 = arith.constant 1 : i32
    %c0_i32 = arith.constant 0 : i32
    %c0_i32_0 = arith.constant 0 : i32
    return %c1_i32, %arg0, %c0_i32 : i32, i32, i32
  }
  func.func @transform_2(%arg0: i32) -> (i32, i32, i32) {
    %c0_i32 = arith.constant 0 : i32
    %c0_i32_0 = arith.constant 0 : i32
    %c0_i32_1 = arith.constant 0 : i32
    return %c0_i32, %arg0, %c0_i32_0 : i32, i32, i32
  }
  func.func @transform_3(%arg0: i32) -> (i32, i32, i32) {
    %c1_i32 = arith.constant 1 : i32
    %c0_i32 = arith.constant 0 : i32
    %c0_i32_0 = arith.constant 0 : i32
    return %c1_i32, %arg0, %c0_i32 : i32, i32, i32
  }
  func.func @transform_4(%arg0: i32) -> (i32, i32) {
    %c0_i32 = arith.constant 0 : i32
    %c0_i32_0 = arith.constant 0 : i32
    return %arg0, %c0_i32 : i32, i32
  }
  func.func @transform_5(%arg0: i32) -> (i32, i32) {
    %c0_i32 = arith.constant 0 : i32
    %c0_i32_0 = arith.constant 0 : i32
    %c0_i32_1 = arith.constant 0 : i32
    return %c0_i32, %c0_i32_0 : i32, i32
  }
  func.func @transform_6(%arg0: i32) -> (i32, i32) {
    %c0_i32 = arith.constant 0 : i32
    %c0_i32_0 = arith.constant 0 : i32
    %c0_i32_1 = arith.constant 0 : i32
    return %c0_i32, %c0_i32_0 : i32, i32
  }
  func.func @transform_7(%arg0: i32) -> (i32, i32) {
    %c0_i32 = arith.constant 0 : i32
    %c0_i32_0 = arith.constant 0 : i32
    %c0_i32_1 = arith.constant 0 : i32
    return %c0_i32, %c0_i32_0 : i32, i32
  }
  func.func @transform_8(%arg0: i32) -> (i32, i32) {
    %c0_i32 = arith.constant 0 : i32
    %c0_i32_0 = arith.constant 0 : i32
    %c0_i32_1 = arith.constant 0 : i32
    return %c0_i32, %c0_i32_0 : i32, i32
  }
  func.func @transform_9(%arg0: i32) -> (i32, i32) {
    %c0_i32 = arith.constant 0 : i32
    %c0_i32_0 = arith.constant 0 : i32
    return %arg0, %c0_i32 : i32, i32
  }
  func.func @transform_10(%arg0: i32) -> (i32, i32) {
    %c0_i32 = arith.constant 0 : i32
    %c0_i32_0 = arith.constant 0 : i32
    return %arg0, %c0_i32 : i32, i32
  }
}

module attributes {stable_mosaic.version = 14 : i64} {
  func.func @_tc2_body(%arg0: i32, %arg1: memref<1x1264x48xf32, #tpu.memory_space<vmem>>, %arg2: memref<1x1264x48xf32, #tpu.memory_space<vmem>>, %arg3: memref<1x1264x1xf32, #tpu.memory_space<vmem>>, %arg4: memref<1x1264x1xf32, #tpu.memory_space<vmem>>, %arg5: memref<1264x128xf32, #tpu.memory_space<vmem>>, %arg6: memref<128x48xf32, #tpu.memory_space<vmem>>, %arg7: memref<1x48xf32, #tpu.memory_space<vmem>>, %arg8: memref<1264x48xf32, #tpu.memory_space<vmem>>) attributes {dimension_semantics = [#tpu.dimension_semantics<arbitrary>], iteration_bounds = array<i64: 8>, scalar_prefetch = 0 : i64, scratch_operands = 0 : i64, tpu.core_type = #tpu.core_type<tc>, window_params = [{transform_indices = @transform_0, window_bounds = array<i64: 1, 1264, 48>}, {transform_indices = @transform_1, window_bounds = array<i64: 1, 1264, 48>}, {transform_indices = @transform_2, window_bounds = array<i64: 1, 1264, 1>}, {transform_indices = @transform_3, window_bounds = array<i64: 1, 1264, 1>}, {transform_indices = @transform_4, window_bounds = array<i64: 1264, 128>}, {pipeline_mode = #tpu.pipeline_mode<synchronous>, transform_indices = @transform_5, window_bounds = array<i64: 128, 48>}, {pipeline_mode = #tpu.pipeline_mode<synchronous>, transform_indices = @transform_6, window_bounds = array<i64: 1, 48>}, {transform_indices = @transform_7, window_bounds = array<i64: 1264, 48>}]} {
    %get3A = arith.constant 0 : index
    %get3A_0 = arith.constant 0 : index
    %get3A_1 = arith.constant 0 : index
    %get3A_2 = vector.load %arg3[%get3A, %get3A_0, %get3A_1] : memref<1x1264x1xf32, #tpu.memory_space<vmem>>, vector<1x1264x1xf32>
    %get3A_3 = vector.shape_cast %get3A_2 : vector<1x1264x1xf32> to vector<1264x1xf32>
    %get3A_4 = arith.constant 0 : index
    %get3A_5 = arith.constant 0 : index
    %get3A_6 = arith.constant 0 : index
    %get3A_7 = vector.load %arg4[%get3A_4, %get3A_5, %get3A_6] : memref<1x1264x1xf32, #tpu.memory_space<vmem>>, vector<1x1264x1xf32>
    %get3A_8 = vector.shape_cast %get3A_7 : vector<1x1264x1xf32> to vector<1264x1xf32>
    %add3A = arith.addf %get3A_3, %get3A_8 : vector<1264x1xf32>
    %max3A = arith.constant 1.000000e+00 : f32
    %max3A_9 = vector.broadcast %max3A : f32 to vector<1264x1xf32>
    %max3A_10 = arith.maximumf %add3A, %max3A_9 : vector<1264x1xf32>
    %get3A_11 = arith.constant 0 : index
    %get3A_12 = arith.constant 0 : index
    %get3A_13 = arith.constant 0 : index
    %get3A_14 = vector.load %arg1[%get3A_11, %get3A_12, %get3A_13] : memref<1x1264x48xf32, #tpu.memory_space<vmem>>, vector<1x1264x48xf32>
    %get3A_15 = vector.shape_cast %get3A_14 : vector<1x1264x48xf32> to vector<1264x48xf32>
    %get3A_16 = arith.constant 0 : index
    %get3A_17 = arith.constant 0 : index
    %get3A_18 = arith.constant 0 : index
    %get3A_19 = vector.load %arg2[%get3A_16, %get3A_17, %get3A_18] : memref<1x1264x48xf32, #tpu.memory_space<vmem>>, vector<1x1264x48xf32>
    %get3A_20 = vector.shape_cast %get3A_19 : vector<1x1264x48xf32> to vector<1264x48xf32>
    %add3A_21 = arith.addf %get3A_15, %get3A_20 : vector<1264x48xf32>
    %div3A = vector.broadcast %max3A_10 : vector<1264x1xf32> to vector<1264x48xf32>
    %div3A_22 = arith.divf %add3A_21, %div3A : vector<1264x48xf32>
    %get3A_23 = arith.constant 0 : index
    %get3A_24 = arith.constant 0 : index
    %get3A_25 = vector.load %arg5[%get3A_23, %get3A_24] : memref<1264x128xf32, #tpu.memory_space<vmem>>, vector<1264x128xf32>
    %get3A_26 = arith.constant 0 : index
    %get3A_27 = arith.constant 0 : index
    %get3A_28 = vector.load %arg6[%get3A_26, %get3A_27] : memref<128x48xf32, #tpu.memory_space<vmem>>, vector<128x48xf32>
    %dot_general3A = arith.constant dense<0.000000e+00> : vector<1264x48xf32>
    %dot_general3A_29 = tpu.matmul %get3A_25, %get3A_28, %dot_general3A {dimension_numbers = #tpu.dot_dimension_numbers<[1], [0], [0], [1], [0, 0, 1, 1], [], []>, transpose_lhs_hint = false} : vector<1264x128xf32>, vector<128x48xf32>, vector<1264x48xf32> -> vector<1264x48xf32>
    %add3A_30 = arith.addf %div3A_22, %dot_general3A_29 : vector<1264x48xf32>
    %get3A_31 = arith.constant 0 : index
    %get3A_32 = arith.constant 0 : index
    %get3A_33 = vector.load %arg7[%get3A_31, %get3A_32] : memref<1x48xf32, #tpu.memory_space<vmem>>, vector<1x48xf32>
    %add3A_34 = vector.broadcast %get3A_33 : vector<1x48xf32> to vector<1264x48xf32>
    %add3A_35 = arith.addf %add3A_30, %add3A_34 : vector<1264x48xf32>
    %iota3A = tpu.iota {dimensions = array<i32: 1>} : vector<1264x48xi32>
    %lt3A = arith.constant 41 : i32
    %lt3A_36 = vector.broadcast %lt3A : i32 to vector<1264x48xi32>
    %lt3A_37 = arith.cmpi slt, %iota3A, %lt3A_36 : vector<1264x48xi32>
    %jit3A = arith.constant -1.000000e+30 : f32
    %broadcast_in_dim3A = vector.broadcast %jit3A : f32 to vector<1264x48xf32>
    %select_n3A = arith.select %lt3A_37, %add3A_35, %broadcast_in_dim3A : vector<1264x48xi1>, vector<1264x48xf32>
    %reduce_max3A = arith.constant dense<0xFF800000> : vector<1264xf32>
    %reduce_max3A_38 = vector.multi_reduction <maximumf>, %select_n3A, %reduce_max3A [1] : vector<1264x48xf32> to vector<1264xf32>
    %broadcast_in_dim3A_39 = vector.shape_cast %reduce_max3A_38 : vector<1264xf32> to vector<1264x1xf32>
    %sub3A = vector.broadcast %broadcast_in_dim3A_39 : vector<1264x1xf32> to vector<1264x48xf32>
    %sub3A_40 = arith.subf %select_n3A, %sub3A : vector<1264x48xf32>
    %exp3A = math.exp %sub3A_40 : vector<1264x48xf32>
    %reduce_sum3A = arith.constant dense<0.000000e+00> : vector<1264xf32>
    %reduce_sum3A_41 = vector.multi_reduction <add>, %exp3A, %reduce_sum3A [1] : vector<1264x48xf32> to vector<1264xf32>
    %broadcast_in_dim3A_42 = vector.shape_cast %reduce_sum3A_41 : vector<1264xf32> to vector<1264x1xf32>
    %log3A = math.log %broadcast_in_dim3A_42 : vector<1264x1xf32>
    %add3A_43 = arith.addf %log3A, %broadcast_in_dim3A_39 : vector<1264x1xf32>
    %sub3A_44 = vector.broadcast %add3A_43 : vector<1264x1xf32> to vector<1264x48xf32>
    %sub3A_45 = arith.subf %select_n3A, %sub3A_44 : vector<1264x48xf32>
    %swap3A = arith.constant 0 : index
    %swap3A_46 = arith.constant 0 : index
    %swap3A_47 = vector.load %arg8[%swap3A, %swap3A_46] : memref<1264x48xf32, #tpu.memory_space<vmem>>, vector<1264x48xf32>
    tpu.vector_store %arg8[%swap3A, %swap3A_46], %sub3A_45 {strides = array<i32>} : memref<1264x48xf32, #tpu.memory_space<vmem>>, vector<1264x48xf32>,
    return
  }
  func.func @transform_0(%arg0: i32) -> (i32, i32, i32) {
    %c0_i32 = arith.constant 0 : i32
    %c0_i32_0 = arith.constant 0 : i32
    %c0_i32_1 = arith.constant 0 : i32
    return %c0_i32, %arg0, %c0_i32_0 : i32, i32, i32
  }
  func.func @transform_1(%arg0: i32) -> (i32, i32, i32) {
    %c1_i32 = arith.constant 1 : i32
    %c0_i32 = arith.constant 0 : i32
    %c0_i32_0 = arith.constant 0 : i32
    return %c1_i32, %arg0, %c0_i32 : i32, i32, i32
  }
  func.func @transform_2(%arg0: i32) -> (i32, i32, i32) {
    %c0_i32 = arith.constant 0 : i32
    %c0_i32_0 = arith.constant 0 : i32
    %c0_i32_1 = arith.constant 0 : i32
    return %c0_i32, %arg0, %c0_i32_0 : i32, i32, i32
  }
  func.func @transform_3(%arg0: i32) -> (i32, i32, i32) {
    %c1_i32 = arith.constant 1 : i32
    %c0_i32 = arith.constant 0 : i32
    %c0_i32_0 = arith.constant 0 : i32
    return %c1_i32, %arg0, %c0_i32 : i32, i32, i32
  }
  func.func @transform_4(%arg0: i32) -> (i32, i32) {
    %c0_i32 = arith.constant 0 : i32
    %c0_i32_0 = arith.constant 0 : i32
    return %arg0, %c0_i32 : i32, i32
  }
  func.func @transform_5(%arg0: i32) -> (i32, i32) {
    %c0_i32 = arith.constant 0 : i32
    %c0_i32_0 = arith.constant 0 : i32
    %c0_i32_1 = arith.constant 0 : i32
    return %c0_i32, %c0_i32_0 : i32, i32
  }
  func.func @transform_6(%arg0: i32) -> (i32, i32) {
    %c0_i32 = arith.constant 0 : i32
    %c0_i32_0 = arith.constant 0 : i32
    %c0_i32_1 = arith.constant 0 : i32
    return %c0_i32, %c0_i32_0 : i32, i32
  }
  func.func @transform_7(%arg0: i32) -> (i32, i32) {
    %c0_i32 = arith.constant 0 : i32
    %c0_i32_0 = arith.constant 0 : i32
    return %arg0, %c0_i32 : i32, i32
  }
}

</mosaic_0001>

<sc_bundles>
// kernel: kernel.6.cloned.1.call-start
scs
__scs_entry_jumppad:
0x0: {  	(pc) =	sbr.rel $0x88, $3  }
0x1: {  	(tag) =	ssettag $0x0;
	lr =	simm.s32 $0x1  }
0x2: {  	[smem:$0x3F99] =	sst lr;
	_ =	strace $0xD0000000  }
0x3: {  	_ = 	snop  }
0x4: {  	_ = 	snop  }
0x5: {  	_ = 	snop  }
0x6: {  	_ = 	snop  }
0x7: {  	_ = 	snop  }
__scs_overlays_trampoline_lowered:
0x8: {  	[smem:$0x3FA8] =	sst s0  }
0x9: {  	[smem:$0x3FA9] =	sst s1  }
0xa: {  	[smem:$0x3FAA] =	sst s2  }
0xb: {  	[smem:$0x3FAB] =	sst s3  }
0xc: {  	[smem:$0x3FAC] =	sst s4  }
0xd: {  	[smem:$0x3FAD] =	sst s5  }
0xe: {  	[smem:$0x3FAE] =	sst s6  }
0xf: {  	[smem:$0x3FAF] =	sst s7  }
0x10: {  	[smem:$0x3FB0] =	sst s8  }
0x11: {  	[smem:$0x3FB1] =	sst s9;
	s0 =	simm.s32 @!p0 $0x0  }
0x12: {  	s1 =	sld [smem:$0x3F97];
	s0 =	simm.s32 @p0 $0x1  }
0x13: {  	[smem:$0x3FB2] =	sst s0;
	s0 =	simm.s32 @!p1 $0x0  }
0x14: {  	s2 =	sld [smem:$0x3F96];
	s0 =	simm.s32 @p1 $0x1  }
0x15: {  	[smem:$0x3FB3] =	sst s0;
	s0 =	simm.s32 @!p2 $0x0  }
0x16: {  	s3 =	sld [smem:$0x3FDB];
	s0 =	simm.s32 @p2 $0x1  }
0x17: {  	s4 =	simm.s32 $0x1BF5;
	[smem:$0x3FB5] =	sst s0  }
0x18: {  	s0 =	sld [smem:$0x3F98];
	_ =	swait.ge [sflag:s4], $0x0  }
0x19: {  	s7 =	sld [smem:$0x3F99]  }
0x1a: {  	s8 =	sadd.s32 $0xFFFFE003, lr  }
0x1b: {  	s9 =	sadd.s32 $0xFFFFFEF7, lr;
	s5 =	simm.s32 $0xFFFFFFFF;
	p2 =	slt.u32 s8, $0xFFFFF086  }
0x1c: {  	p1 =	slt.u32 s9, $0xF7A;
	s5 =	simm.s32 @!p2 $0x0  }
0x1d: {  	s5 =	simm.s32 @p1 $0x1;
	p0 =	seq.s32 s7, s2  }
0x1e: {  	s7 =	smul.u32 @!p0 $0xF7A, s2;
	p2 =	seq.s32 @!p0 s5, $0x0  }
0x1f: {  	s9 =	smul.u32 $0xF7A, s1;
	s8 =	simm.s32 @!p0 $0x1BF5;
	p2 =	por !p2, p0  }
0x20: {  	[sflag:s8] =	ssyncset.s32 @!p0 $0xFFFFF086;
	s6 =	sadd.s32 @!p0 s3, s7;
	s7 =	simm.s32 @!p0 $0x108  }
0x21: {  	s3 =	sadd.s32 s3, s9;
	s6 =	sadd.s32 @!p0 $0x88, s6;
	s7 =	simm.s32 @p2 $0x1082  }
0x22: {  	[simem:s7], [sflag:s8] =	dma.local @!p0 [hbm:s6], $0xF7A  }
0x23: {  	s9 =	sor.u32 $0xD0000000, s2;
	s6 =	simm.s32 $0x108;
	_ =	swait.ge @!p0 [sflag:s8], $0x0  }
0x24: {  	s3 =	sadd.s32 $0x88, s3;
	s6 =	simm.s32 @!p1 $0x1082;
	[sflag:s4] =	ssyncset.s32 $0xFFFFF086  }
0x25: {  	[simem:s6], [sflag:s4] =	dma.local [hbm:s3], $0xF7A  }
0x26: {  	[smem:$0x3F99] =	sst s1;
	(tag) =	ssettag s2;
	_ =	strace s9  }
0x27: {  	s1 =	sld [smem:$0x3FA9]  }
0x28: {  	s2 =	sld [smem:$0x3FAA]  }
0x29: {  	s4 =	sld [smem:$0x3FAC]  }
0x2a: {  	p0 =	seq.s32 s5, $0x0;
	s5 =	sld [smem:$0x3FAD]  }
0x2b: {  	s6 =	sld [smem:$0x3FAE]  }
0x2c: {  	s7 =	sld [smem:$0x3FAF]  }
0x2d: {  	s3 =	simm.s32 $0x108;
	s8 =	sld [smem:$0x3FB0]  }
0x2e: {  	s3 =	simm.s32 @!p0 $0x1082;
	s9 =	sld [smem:$0x3FB1]  }
0x2f: {  	lr =	sadd.s32 s0, s3;
	s0 =	sld [smem:$0x3FA8]  }
0x30: {  	s3 =	sld [smem:$0x3FAB]  }
0x31: {  	[smem:$0x3FB4] =	sst s10  }
0x32: {  	s10 =	sld [smem:$0x3FB2];
	_ =	sdelay $0x3  }
0x33: {  	p0 =	seq.s32 s10, $0x1;
	s10 =	sld [smem:$0x3FB4];
	_ =	sdelay $0x3  }
0x34: {  	[smem:$0x3FB4] =	sst s10  }
0x35: {  	s10 =	sld [smem:$0x3FB3];
	_ =	sdelay $0x3  }
0x36: {  	p1 =	seq.s32 s10, $0x1;
	s10 =	sld [smem:$0x3FB4];
	_ =	sdelay $0x3  }
0x37: {  	[smem:$0x3FB4] =	sst s10  }
0x38: {  	s10 =	sld [smem:$0x3FB5]  }
0x39: {  	_ = 	snop;
	(pc) =	sbr.ind lr, $3  }
0x3a: {  	_ = 	snop  }
0x3b: {  	_ = 	snop  }
0x3c: {  	p2 =	seq.s32 s10, $0x1;
	s10 =	sld [smem:$0x3FB4]  }
0x3d: {  	_ =	shalt  }
0x3e: {  	_ =	shalt  }
0x3f: {  	_ =	shalt  }
0x40: {  	_ =	shalt  }
0x41: {  	_ =	shalt  }
0x42: {  	_ =	shalt  }
0x43: {  	_ =	shalt  }
0x44: {  	_ =	shalt  }
0x45: {  	_ =	shalt  }
0x46: {  	_ =	shalt  }
0x47: {  	_ =	shalt  }
0x48: {  	_ =	shalt  }
0x49: {  	_ =	shalt  }
0x4a: {  	_ =	shalt  }
0x4b: {  	_ =	shalt  }
0x4c: {  	_ =	shalt  }
0x4d: {  	_ =	shalt  }
0x4e: {  	_ =	shalt  }
0x4f: {  	_ =	shalt  }
0x50: {  	_ =	shalt  }
0x51: {  	_ =	shalt  }
0x52: {  	_ =	shalt  }
0x53: {  	_ =	shalt  }
0x54: {  	_ =	shalt  }
0x55: {  	_ =	shalt  }
0x56: {  	_ =	shalt  }
0x57: {  	_ =	shalt  }
0x58: {  	_ =	shalt  }
0x59: {  	_ =	shalt  }
0x5a: {  	_ =	shalt  }
0x5b: {  	_ =	shalt  }
0x5c: {  	_ =	shalt  }
0x5d: {  	_ =	shalt  }
0x5e: {  	_ =	shalt  }
0x5f: {  	_ =	shalt  }
0x60: {  	_ =	shalt  }
0x61: {  	_ =	shalt  }
0x62: {  	_ =	shalt  }
0x63: {  	_ =	shalt  }
0x64: {  	_ =	shalt  }
0x65: {  	_ =	shalt  }
0x66: {  	_ =	shalt  }
0x67: {  	_ =	shalt  }
0x68: {  	_ =	shalt  }
0x69: {  	_ =	shalt  }
0x6a: {  	_ =	shalt  }
0x6b: {  	_ =	shalt  }
0x6c: {  	_ =	shalt  }
0x6d: {  	_ =	shalt  }
0x6e: {  	_ =	shalt  }
0x6f: {  	_ =	shalt  }
0x70: {  	_ =	shalt  }
0x71: {  	_ =	shalt  }
0x72: {  	_ =	shalt  }
0x73: {  	_ =	shalt  }
0x74: {  	_ =	shalt  }
0x75: {  	_ =	shalt  }
0x76: {  	_ =	shalt  }
0x77: {  	_ =	shalt  }
0x78: {  	_ =	shalt  }
0x79: {  	_ =	shalt  }
0x7a: {  	_ =	shalt  }
0x7b: {  	_ =	shalt  }
0x7c: {  	_ =	shalt  }
0x7d: {  	_ =	shalt  }
0x7e: {  	_ =	shalt  }
0x7f: {  	_ =	shalt  }
0x80: {  	_ =	shalt  }
0x81: {  	_ =	shalt  }
0x82: {  	_ =	shalt  }
0x83: {  	_ =	shalt  }
0x84: {  	_ =	shalt  }
0x85: {  	_ =	shalt  }
0x86: {  	_ =	shalt  }
0x87: {  	_ =	shalt  }
.Lfunc_end0:
.L_simem_size_0:
called_computation_lowered:
.L_overlay_start_0:
0x88: {  	s2 =	sld [smem:$0x3FD9]  }
0x89: {  	s3 =	sld [smem:$0x3FFE];
	_ =	sdelay $0x1  }
0x8a: {  	s1 =	srdreg.scid  }
0x8b: {  	s0 =	sand.u32 $0x1, s1  }
0x8c: {  	s17 =	sshll.u32 s0, $0xA;
	s2 =	sadd.s32 s3, s2  }
0x8d: {  	s2 =	sadd.s32 s2, s17  }
0x8e: {  	[smem:$0x3FC0] =	sst s2  }
0x8f: {  	_ = 	snop  }
0x90: {  	s2 =	sld [smem:$0x3FD0];
	(tm) =	ssettm $0x1  }
0x91: {  	s18 =	sld [smem:$0x3FFB];
	_ =	sdelay $0x3  }
0x92: {  	_ =	strace s18  }
0x93: {  	s3 =	sld [smem:$0x3FFC];
	_ =	sdelay $0x3  }
0x94: {  	_ =	strace s3  }
0x95: {  	s3 =	sld [smem:$0x3FFD];
	_ =	sdelay $0x3  }
0x96: {  	_ =	strace s3  }
0x97: {  	_ =	strace $0x8FFFFFFF  }
0x98: {  	s19 =	sld [smem:$0x3FDB];
	_ =	sdelay $0x1  }
0x99: {  	s4 =	simm.s32 $_scs_section_size  }
0x9a: {  	s5 =	simm.s32 $_size__tile_overlayer_lowered;
	s6 =	simm.s32 $_tile_overlayer_lowered  }
0x9b: {  	s22 =	simm.s32 $0x1BFF;
	s21 =	sshll.u32 s6, $0x1;
	s3 =	sadd.s32 s4, s19  }
0x9c: {  	s7 =	simm.s32 $0x0;
	s20 =	sshll.u32 s5, $0x1;
	s5 =	sadd.s32 s21, s3  }
0x9d: {  	[timem:s7], [sflag:s22] =	dma.local [hbm:s5], s20  }
0x9e: {  	_ =	swait.ge [sflag:s22], s20  }
0x9f: {  	s4 =	ssub.s32 $0x0, s20;
	[sflag:s22] =	ssyncset.done $0x0  }
0xa0: {  	[sflag:s22] =	ssyncadd.s32 s4;
	_ =	sdelay $0x1  }
0xa1: {  	s23 =	simm.s32 $0x1B8B  }
0xa2: {  	_ =	swait.ge [sflag:s23], $0x1  }
0xa3: {  	[sflag:s23] =	ssyncset.done $0x0  }
0xa4: {  	s25 =	simm.s32 $0x1B8E;
	s24 =	sld [smem:$0x3FFE];
	[sflag:s23] =	ssyncadd.s32 $0xFFFFFFFF  }
0xa5: {  	s26 =	simm.s32 $execute0_lowered;
	[smem:$0x3FD2] =	sst s25  }
0xa6: {  	s5 =	sshll.u32 s26, $0x1;
	_ =	strace $0x80000046;
	[dreg:$0x1] =	wrdreg $0xFFFFFFFF  }
0xa7: {  	s28 =	simm.s32 $_size_execute0_lowered;
	s3 =	sadd.s32 s3, s5;
	[dreg:$0x0] =	wrdreg $0x0  }
0xa8: {  	s5 =	sshll.u32 s28, $0x1;
	[dreg:$0x2] =	wrdreg s3  }
0xa9: {  	[dreg:$0x3] =	wrdreg s5  }
0xaa: {  	[dreg:$0x4] =	wrdreg $0xC0  }
0xab: {  	_ =	task [dreg:s7], $0x5FFFF  }
0xac: {  	[dreg:$0x1] =	wrdreg $0xFFFFFFFF  }
0xad: {  	[dreg:$0x0] =	wrdreg $0x60  }
0xae: {  	[dreg:$0x2] =	wrdreg s24  }
0xaf: {  	[dreg:$0x3] =	wrdreg s2  }
0xb0: {  	[dreg:$0x4] =	wrdreg $0x131F80  }
0xb1: {  	[dreg:$0x5] =	wrdreg $0x93F80  }
0xb2: {  	[dreg:$0x6] =	wrdreg $0x1CFF80  }
0xb3: {  	[dreg:$0x7] =	wrdreg $0x9  }
0xb4: {  	_ =	task.clear_ibuf [dreg:s7], $0x8FFFF;
	_ =	strace $0x90000046  }
0xb5: {  	s29 =	simm.s32 $0x9;
	_ =	strace $0x80000048  }
0xb6: {  	_ =	swait.ge [sflag:s29], $0x1  }
0xb7: {  	[sflag:s29] =	ssyncadd.s32 $0xFFFFFFFF  }
0xb8: {  	_ =	strace $0x90000048  }
0xb9: {  	_ =	sfence  }
0xba: {  	s30 =	sld [smem:$0x0];
	_ =	sdelay $0x2  }
0xbb: {  	s31 =	sshll.u32 s1, $0xD;
	s1 =	sshrl.u32 s1, $0x2  }
0xbc: {  	s3 =	sand.u32 $0x4000, s31;
	s1 =	sadd.s32 s1, s30  }
0xbd: {  	s0 =	sor.u32 s3, s0;
	s1 =	sshll.u32 s1, $0x11  }
0xbe: {  	s0 =	sor.u32 s1, s0  }
0xbf: {  	s0 =	sadd.s32 $0x8F2B, s0  }
0xc0: {  	[sflag:s0] =	ssyncadd.remote.s32 $0x1  }
0xc1: {  	_ =	sfence.sel $0xFFFF  }
0xc2: {  	[dreg:$0x0] =	wrdreg $0xFFFFFFFF;
	(pc) =	sbr.abs _section_cstart, $3  }
0xc3: {  	[dreg:$0x1] =	wrdreg $0xFFFFFFFF  }
0xc4: {  	_ =	task.clear_ibuf [dreg:s7], $0x2FFFF;
	_ =	strace $0x9FFFFFFF  }
0xc5: {  	(tm) =	ssettm $0x7FFFFFFF  }
tec
execute0_lowered:
.L_overlay_start_1:
0x0: {  	(tag) =	ssettag $0x1  }
0x1: {  	s0 =	rddreg [dreg:$0x0]  }
0x2: {  	s2 =	rddreg [dreg:$0x2]  }
0x3: {  	s4 =	rddreg [dreg:$0x3]  }
0x4: {  	s5 =	rddreg [dreg:$0x4];
	s17 =	stileid.u32  }
0x5: {  	s6 =	simm.s32 $0x0;
	s3 =	srdreg.scid;
	s1 =	smul.u32 $0x5000, s17  }
0x6: {  	s30 =	simm.s32 $0x5000;
	s31 =	simm.s32 $0x5080;
	s7 =	smul.u32 $0x13C00, s17  }
0x7: {  	s28 =	simm.s32 $0x4;
	[smem:$0x7FF] =	sst s6;
	s8 =	smul.u32 $0x9E00, s17  }
0x8: {  	s3 =	sand.u32 $0x1, s3;
	s12 =	smul.u32 $0x278, s17;
	s13 =	sadd.s32 $0x1E00, s0  }
0x9: {  	s14 =	sadd.s32 $0x3D600, s0;
	s16 =	sadd.s32 $0x3D800, s0;
	s22 =	smul.u32 $0xA00, s17  }
0xa: {  	_ =	strace $0x80000047;
	s10 =	smul.u32 $0x9E000, s3;
	[dreg:$0x6] =	wrdreg s14  }
0xb: {  	s9 =	sshll.u32 s3, $0x6;
	s15 =	smul.u32 $0x2780, s3;
	[dreg:$0x7] =	wrdreg s16  }
0xc: {  	s18 =	ssub.s32 $0x2, s3;
	p0 =	sne.s32 s3, $0x0;
	p1 =	seq.s32 s3, $0x0  }
0xd: {  	s3 =	simm.s32 $0x5100;
	s1 =	sshrl.u32 s1, $0x3;
	s7 =	sor.u32 s9, s7  }
0xe: {  	s19 =	sshrl.u32 s18, $0x1;
	s16 =	sadd.s32 s8, s2;
	s25 =	sadd.s32 s22, s13  }
0xf: {  	s22 =	simm.s32 $0x5;
	s11 =	sadd.s32 s1, s0;
	s7 =	sshrl.u32 s7, $0x3  }
0x10: {  	s10 =	sadd.s32 s8, s10;
	s9 =	sadd.s32 s12, s15;
	s15 =	sshll.u32 s17, $0x6  }
0x11: {  	s14 =	ssub.s32 s18, s19;
	s8 =	sadd.s32 s8, s4;
	s21 =	sadd.s32 s13, s1  }
0x12: {  	s1 =	simm.s32 $0x7100;
	s7 =	sadd.s32 s7, s0;
	s10 =	sshrl.u32 s10, $0x3  }
0x13: {  	s9 =	sshrl.u32 s9, $0x3;
	s20 =	sadd.s32 $0xBE00, s11;
	[dreg:$0xb] =	wrdreg s21  }
0x14: {  	s11 =	sadd.s32 s12, s5;
	s23 =	sadd.s32 $0x10, s21;
	[dreg:$0x9] =	wrdreg s20  }
0x15: {  	s24 =	smax.u32 s14, $0x1;
	s18 =	sadd.s32 $0x9F0, s21;
	[dreg:$0xc] =	wrdreg s23  }
0x16: {  	s26 =	sadd.s32 $0x9E0, s21;
	s29 =	sshrl.u32 s8, $0x3;
	[dreg:$0xf] =	wrdreg s24  }
0x17: {  	s14 =	simm.s32 $0x9180;
	s8 =	simm.s32 $0x0;
	[dreg:$0x10] =	wrdreg s26  }
0x18: {  	s10 =	sadd.s32 s10, s0;
	s0 =	sadd.s32 s9, s0;
	[dreg:$0x12] =	wrdreg s29  }
0x19: {  	s9 =	sor.u32 $0x1C05, s15;
	s7 =	sadd.s32 $0x15E00, s7;
	[dreg:$0xa] =	wrdreg s11  }
0x1a: {  	s20 =	sadd.s32 $0x20, s25;
	[dreg:$0x8] =	wrdreg s7;
	s10 =	sadd.s32 $0x3E400, s10  }
0x1b: {  	s24 =	simm.s32 $0x1;
	s0 =	sadd.s32 $0x3DA00, s0;
	[dreg:$0xd] =	wrdreg s10  }
0x1c: {  	s25 =	simm.s32 $0x3;
	[dreg:$0xe] =	wrdreg s0;
	s10 =	sshrl.u32 s16, $0x3  }
0x1d: {  	s26 =	simm.s32 $0x2;
	s0 =	simm.s32 $0x80;
	[dreg:$0x11] =	wrdreg s10  }
.LBB2_1:
0x1e: {  	s7 =	rddreg [dreg:$0x1]  }
0x1f: {  	[spmem:s10], [sflag:s9] =	dma.local [hbm:s7], $0x13C0  }
0x20: {  	_ =	swait.ge [sflag:s22], $0x13C0  }
0x21: {  	s12 =	simm.s32 $0x8;
	[sflag:s22] =	ssyncset.done $0x0;
	s23 =	rddreg [dreg:$0x8]  }
0x22: {  	s13 =	simm.s32 $0x10;
	s29 =	rddreg [dreg:$0x12];
	[sflag:s22] =	ssyncadd.s32 $0xFFFFEC40  }
0x23: {  	[spmem:s29@s12], [sflag:s9] =	dma.strided [hbm:s23@s13], $0x13C0, s24, $0x8   }
0x24: {  	_ =	swait.ge [sflag:s22], $0x13C0  }
0x25: {  	[sflag:s22] =	ssyncset.done $0x0  }
0x26: {  	s13 =	rddreg [dreg:$0x9];
	[sflag:s22] =	ssyncadd.s32 $0xFFFFEC40  }
0x27: {  	[tilespmem:s6], [sflag:$0x5] =	stream.linear.gather [hbm4b:s13+s6], $0x5000, $0x38;
	[tilespmem:$0x1D270] =	vst v63  }
0x28: {  	_ =	swait.ge [sflag:s22], $0x5000  }
0x29: {  	[sflag:s22] =	ssyncset.done $0x0  }
0x2a: {  	s16 =	simm.s32 $0x9100;
	s15 =	rddreg [dreg:$0x7];
	[sflag:s22] =	ssyncadd.s32 $0xFFFFB000  }
0x2b: {  	[tilespmem:s16], [sflag:$0x5] =	stream.linear.gather [hbm4b:s15+s6], $0x80, $0x38;
	[tilespmem:$0x1D270] =	vst v63  }
0x2c: {  	_ =	swait.ge [sflag:s22], $0x80  }
0x2d: {  	[sflag:s22] =	ssyncset.done $0x0  }
0x2e: {  	s17 =	rddreg [dreg:$0x6];
	[sflag:s22] =	ssyncadd.s32 $0xFFFFFF80  }
0x2f: {  	[tilespmem:s14], [sflag:$0x5] =	stream.linear.gather [hbm4b:s17+s6], $0x278, $0x38;
	[tilespmem:$0x1D270] =	vst v63  }
0x30: {  	_ =	swait.ge [sflag:s22], $0x278  }
0x31: {  	[sflag:s22] =	ssyncset.done $0x0  }
0x32: {  	[sflag:s22] =	ssyncadd.s32 $0xFFFFFD88  }
0x33: {  	[spmem:s11] =	stream.linear.scatter [tilespmem:s14], [sflag:$0x5], $0x278, $0x38;
	[tilespmem:$0x1D270] =	vst v63  }
0x34: {  	_ =	swait.ge [sflag:s22], $0x278  }
0x35: {  	[sflag:s22] =	ssyncset.done $0x0  }
0x36: {  	[sflag:s22] =	ssyncadd.s32 $0xFFFFFD88  }
0x37: {  	[bflag:$0x0] =	sbarrier.arrive $0xFFFF  }
0x38: {  	s19 =	rddreg [dreg:$0xb]  }
0x39: {  	[tilespmem:s30], [sflag:$0x3] =	stream.linear.gather [hbm4b:s19+s6], $0x80, $0x38;
	[tilespmem:$0x1D270] =	vst v63  }
0x3a: {  	s21 =	rddreg [dreg:$0xc]  }
0x3b: {  	[tilespmem:s31], [sflag:$0x4] =	stream.linear.gather [hbm4b:s21+s6], $0x80, $0x38;
	[tilespmem:$0x1D270] =	vst v63  }
0x3c: {  	_ = 	snop  }
0x3d: {  	[tilespmem:s3], [sflag:$0x1] =	stream.indirect.gather [spmem:s4], $0x40, s6, s0, $0xb8;
	[tilespmem:$0x1D270] =	vst v63  }
0x3e: {  	s23 =	simm.s32 $0x80  }
0x3f: {  	[tilespmem:s1], [sflag:$0x2] =	stream.indirect.gather [spmem:s4], $0x40, s23, s0, $0xb8;
	[tilespmem:$0x1D270] =	vst v63  }
0x40: {  	_ =	swait.ge [sflag:s24], $0x2000  }
0x41: {  	[sflag:s24] =	ssyncset.done $0x0  }
0x42: {  	[sflag:s24] =	ssyncadd.s32 $0xFFFFE000  }
0x43: {  	_ =	swait.ge [sflag:s25], $0x80  }
0x44: {  	[sflag:s25] =	ssyncset.done $0x0  }
0x45: {  	[sflag:s25] =	ssyncadd.s32 $0xFFFFFF80  }
0x46: {  	[spmem:s2] =	stream.indirect.scatter.add.f32 [tilespmem:s3], [sflag:$0x5], $0x40, s30, s0, $0xb8;
	[tilespmem:$0x1D270] =	vst v63  }
0x47: {  	_ =	swait.ge [sflag:s22], $0x2000  }
0x48: {  	s15 =	simm.s32 @!p0 $0x80;
	s16 =	simm.s32 @!p0 $0x5000;
	[sflag:s22] =	ssyncset.done $0x0  }
0x49: {  	s11 =	simm.s32 @!p0 $0x9100;
	s14 =	simm.s32 @!p0 $0x5;
	[sflag:s22] =	ssyncadd.s32 $0xFFFFE000  }
0x4a: {  	[spmem:s5] =	stream.indirect.scatter.add.f32 @!p0 [tilespmem:s11], [sflag:$0x5], $0x1, s16, s15, $0xb8;
	[tilespmem:$0x1D270] =	vst v63  }
0x4b: {  	_ =	swait.ge @!p0 [sflag:s14], $0x80  }
0x4c: {  	[sflag:s14] =	ssyncset.done @!p0 $0x0  }
0x4d: {  	s29 =	simm.s32 $0x100;
	[sflag:s14] =	ssyncadd.s32 @!p0 $0xFFFFFF80  }
0x4e: {  	[tilespmem:s3], [sflag:$0x1] =	stream.indirect.gather [spmem:s4], $0x40, s29, s0, $0xb8;
	[tilespmem:$0x1D270] =	vst v63  }
0x4f: {  	_ = 	snop  }
0x50: {  	[tilespmem:s30], [sflag:$0x3] =	stream.linear.gather [hbm4b:s20+s6], $0x80, $0x38;
	[tilespmem:$0x1D270] =	vst v63  }
0x51: {  	_ =	swait.ge [sflag:s26], $0x2000  }
0x52: {  	[sflag:s26] =	ssyncset.done $0x0  }
0x53: {  	[sflag:s26] =	ssyncadd.s32 $0xFFFFE000  }
0x54: {  	_ =	swait.ge [sflag:s28], $0x80  }
0x55: {  	[sflag:s28] =	ssyncset.done $0x0  }
0x56: {  	[sflag:s28] =	ssyncadd.s32 $0xFFFFFF80  }
0x57: {  	[spmem:s2] =	stream.indirect.scatter.add.f32 [tilespmem:s1], [sflag:$0x5], $0x40, s31, s0, $0xb8;
	[tilespmem:$0x1D270] =	vst v63  }
0x58: {  	_ =	swait.ge [sflag:s22], $0x2000  }
0x59: {  	s7 =	simm.s32 @!p1 $0x9100;
	s13 =	simm.s32 @!p1 $0x80;
	[sflag:s22] =	ssyncset.done $0x0  }
0x5a: {  	s19 =	simm.s32 @!p1 $0x5;
	s23 =	simm.s32 @!p1 $0x5080;
	[sflag:s22] =	ssyncadd.s32 $0xFFFFE000  }
0x5b: {  	[spmem:s5] =	stream.indirect.scatter.add.f32 @!p1 [tilespmem:s7], [sflag:$0x5], $0x1, s23, s13, $0xb8;
	[tilespmem:$0x1D270] =	vst v63  }
0x5c: {  	_ =	swait.ge @!p1 [sflag:s19], $0x80  }
0x5d: {  	s10 =	sadd.s32 $0x20, s20;
	s12 =	simm.s32 $0xFFFED000;
	[sflag:s19] =	ssyncset.done @!p1 $0x0  }
0x5e: {  	s17 =	simm.s32 $0xFFFFB300;
	s21 =	sadd.s32 $0x10, s20;
	[sflag:s19] =	ssyncadd.s32 @!p1 $0xFFFFFF80  }
.LBB2_2:
0x5f: {  	[tilespmem:s31], [sflag:$0x4] =	stream.linear.gather [hbm4b:s21+s6], $0x80, $0x38;
	[tilespmem:$0x1D270] =	vst v63  }
0x60: {  	s21 =	sshra.s32 s12, $0x2;
	s12 =	sadd.s32 $0x400, s12;
	s29 =	sadd.s32 $0x4E80, s17  }
0x61: {  	[tilespmem:s1], [sflag:$0x2] =	stream.indirect.gather [spmem:s4], $0x40, s29, s0, $0xb8;
	[tilespmem:$0x1D270] =	vst v63  }
0x62: {  	p2 =	sne.s32 s12, $0x0;
	_ =	swait.ge [sflag:s24], $0x2000  }
0x63: {  	[sflag:s24] =	ssyncset.done $0x0  }
0x64: {  	[sflag:s24] =	ssyncadd.s32 $0xFFFFE000  }
0x65: {  	_ =	swait.ge [sflag:s25], $0x80  }
0x66: {  	[sflag:s25] =	ssyncset.done $0x0  }
0x67: {  	[sflag:s25] =	ssyncadd.s32 $0xFFFFFF80  }
0x68: {  	[spmem:s2] =	stream.indirect.scatter.add.f32 [tilespmem:s3], [sflag:$0x5], $0x40, s30, s0, $0xb8;
	[tilespmem:$0x1D270] =	vst v63  }
0x69: {  	_ =	swait.ge [sflag:s22], $0x2000  }
0x6a: {  	[sflag:s22] =	ssyncset.done $0x0  }
0x6b: {  	[sflag:s22] =	ssyncadd.s32 $0xFFFFE000  }
0x6c: {  	[spmem:s5] =	stream.indirect.scatter.add.f32 @!p0 [tilespmem:s11], [sflag:$0x5], $0x1, s16, s15, $0xb8;
	[tilespmem:$0x1D270] =	vst v63  }
0x6d: {  	_ =	swait.ge @!p0 [sflag:s14], $0x80  }
0x6e: {  	[sflag:s14] =	ssyncset.done @!p0 $0x0  }
0x6f: {  	s29 =	sadd.s32 $0x4F00, s17;
	s17 =	smov.u32 s21;
	[sflag:s14] =	ssyncadd.s32 @!p0 $0xFFFFFF80  }
0x70: {  	[tilespmem:s3], [sflag:$0x1] =	stream.indirect.gather [spmem:s4], $0x40, s29, s0, $0xb8;
	[tilespmem:$0x1D270] =	vst v63  }
0x71: {  	_ = 	snop  }
0x72: {  	[tilespmem:s30], [sflag:$0x3] =	stream.linear.gather [hbm4b:s10+s6], $0x80, $0x38;
	[tilespmem:$0x1D270] =	vst v63  }
0x73: {  	_ =	swait.ge [sflag:s26], $0x2000  }
0x74: {  	[sflag:s26] =	ssyncset.done $0x0  }
0x75: {  	[sflag:s26] =	ssyncadd.s32 $0xFFFFE000  }
0x76: {  	_ =	swait.ge [sflag:s28], $0x80  }
0x77: {  	[sflag:s28] =	ssyncset.done $0x0  }
0x78: {  	[sflag:s28] =	ssyncadd.s32 $0xFFFFFF80  }
0x79: {  	[spmem:s2] =	stream.indirect.scatter.add.f32 [tilespmem:s1], [sflag:$0x5], $0x40, s31, s0, $0xb8;
	[tilespmem:$0x1D270] =	vst v63  }
0x7a: {  	_ =	swait.ge [sflag:s22], $0x2000  }
0x7b: {  	[sflag:s22] =	ssyncset.done $0x0  }
.Ltmp0:
0x7c: {  	[sflag:s22] =	ssyncadd.s32 $0xFFFFE000;
	(pc) =	sbr.rel @p2 .LBB2_2-.Ltmp0, $4  }
0x7d: {  	[spmem:s5] =	stream.indirect.scatter.add.f32 @!p1 [tilespmem:s7], [sflag:$0x5], $0x1, s23, s13, $0xb8;
	[tilespmem:$0x1D270] =	vst v63  }
0x7e: {  	_ =	swait.ge @!p1 [sflag:s19], $0x80  }
0x7f: {  	[sflag:s19] =	ssyncset.done @!p1 $0x0  }
0x80: {  	s21 =	sadd.s32 $0x10, s10;
	s10 =	sadd.s32 $0x20, s10;
	[sflag:s19] =	ssyncadd.s32 @!p1 $0xFFFFFF80  }
0x81: {  	[tilespmem:s31], [sflag:$0x4] =	stream.linear.gather [hbm4b:s21+s6], $0x80, $0x38;
	[tilespmem:$0x1D270] =	vst v63  }
0x82: {  	s7 =	sadd.s32 $0x4E80, s17  }
0x83: {  	[tilespmem:s1], [sflag:$0x2] =	stream.indirect.gather [spmem:s4], $0x40, s7, s0, $0xb8;
	[tilespmem:$0x1D270] =	vst v63  }
0x84: {  	_ =	swait.ge [sflag:s24], $0x2000  }
0x85: {  	[sflag:s24] =	ssyncset.done $0x0  }
0x86: {  	[sflag:s24] =	ssyncadd.s32 $0xFFFFE000  }
0x87: {  	_ =	swait.ge [sflag:s25], $0x80  }
0x88: {  	[sflag:s25] =	ssyncset.done $0x0  }
0x89: {  	[sflag:s25] =	ssyncadd.s32 $0xFFFFFF80  }
0x8a: {  	[spmem:s2] =	stream.indirect.scatter.add.f32 [tilespmem:s3], [sflag:$0x5], $0x40, s30, s0, $0xb8;
	[tilespmem:$0x1D270] =	vst v63  }
0x8b: {  	_ =	swait.ge [sflag:s22], $0x2000  }
0x8c: {  	s11 =	simm.s32 @!p0 $0x9100;
	s13 =	simm.s32 @!p0 $0x80;
	[sflag:s22] =	ssyncset.done $0x0  }
0x8d: {  	s14 =	simm.s32 @!p0 $0x5000;
	s7 =	simm.s32 @!p0 $0x5;
	[sflag:s22] =	ssyncadd.s32 $0xFFFFE000  }
0x8e: {  	[spmem:s5] =	stream.indirect.scatter.add.f32 @!p0 [tilespmem:s11], [sflag:$0x5], $0x1, s14, s13, $0xb8;
	[tilespmem:$0x1D270] =	vst v63  }
0x8f: {  	_ =	swait.ge @!p0 [sflag:s7], $0x80  }
0x90: {  	[sflag:s7] =	ssyncset.done @!p0 $0x0  }
0x91: {  	s12 =	sadd.s32 $0x4F00, s17;
	[sflag:s7] =	ssyncadd.s32 @!p0 $0xFFFFFF80  }
0x92: {  	[tilespmem:s3], [sflag:$0x1] =	stream.indirect.gather [spmem:s4], $0x40, s12, s0, $0xb8;
	[tilespmem:$0x1D270] =	vst v63  }
0x93: {  	_ = 	snop  }
0x94: {  	[tilespmem:s30], [sflag:$0x3] =	stream.linear.gather [hbm4b:s10+s6], $0x80, $0x38;
	[tilespmem:$0x1D270] =	vst v63  }
0x95: {  	_ =	swait.ge [sflag:s26], $0x2000  }
0x96: {  	[sflag:s26] =	ssyncset.done $0x0  }
0x97: {  	[sflag:s26] =	ssyncadd.s32 $0xFFFFE000  }
0x98: {  	_ =	swait.ge [sflag:s28], $0x80  }
0x99: {  	[sflag:s28] =	ssyncset.done $0x0  }
0x9a: {  	[sflag:s28] =	ssyncadd.s32 $0xFFFFFF80  }
0x9b: {  	[spmem:s2] =	stream.indirect.scatter.add.f32 [tilespmem:s1], [sflag:$0x5], $0x40, s31, s0, $0xb8;
	[tilespmem:$0x1D270] =	vst v63  }
0x9c: {  	_ =	swait.ge [sflag:s22], $0x2000  }
0x9d: {  	s15 =	simm.s32 @!p1 $0x5080;
	s16 =	simm.s32 @!p1 $0x9100;
	[sflag:s22] =	ssyncset.done $0x0  }
0x9e: {  	s17 =	simm.s32 @!p1 $0x80;
	s12 =	simm.s32 @!p1 $0x5;
	[sflag:s22] =	ssyncadd.s32 $0xFFFFE000  }
0x9f: {  	[spmem:s5] =	stream.indirect.scatter.add.f32 @!p1 [tilespmem:s16], [sflag:$0x5], $0x1, s15, s17, $0xb8;
	[tilespmem:$0x1D270] =	vst v63  }
0xa0: {  	_ =	swait.ge @!p1 [sflag:s12], $0x80  }
0xa1: {  	[sflag:s12] =	ssyncset.done @!p1 $0x0  }
0xa2: {  	s19 =	sadd.s32 $0x10, s10;
	[sflag:s12] =	ssyncadd.s32 @!p1 $0xFFFFFF80  }
0xa3: {  	[tilespmem:s31], [sflag:$0x4] =	stream.linear.gather [hbm4b:s19+s6], $0x80, $0x38;
	[tilespmem:$0x1D270] =	vst v63  }
0xa4: {  	s21 =	simm.s32 $0x4E80  }
0xa5: {  	[tilespmem:s1], [sflag:$0x2] =	stream.indirect.gather [spmem:s4], $0x40, s21, s0, $0xb8;
	[tilespmem:$0x1D270] =	vst v63  }
0xa6: {  	_ =	swait.ge [sflag:s24], $0x2000  }
0xa7: {  	[sflag:s24] =	ssyncset.done $0x0  }
0xa8: {  	[sflag:s24] =	ssyncadd.s32 $0xFFFFE000  }
0xa9: {  	_ =	swait.ge [sflag:s25], $0x80  }
0xaa: {  	[sflag:s25] =	ssyncset.done $0x0  }
0xab: {  	[sflag:s25] =	ssyncadd.s32 $0xFFFFFF80  }
0xac: {  	[spmem:s2] =	stream.indirect.scatter.add.f32 [tilespmem:s3], [sflag:$0x5], $0x40, s30, s0, $0xb8;
	[tilespmem:$0x1D270] =	vst v63  }
0xad: {  	_ =	swait.ge [sflag:s22], $0x2000  }
0xae: {  	[sflag:s22] =	ssyncset.done $0x0  }
0xaf: {  	[sflag:s22] =	ssyncadd.s32 $0xFFFFE000  }
0xb0: {  	[spmem:s5] =	stream.indirect.scatter.add.f32 @!p0 [tilespmem:s11], [sflag:$0x5], $0x1, s14, s13, $0xb8;
	[tilespmem:$0x1D270] =	vst v63  }
0xb1: {  	_ =	swait.ge @!p0 [sflag:s7], $0x80  }
0xb2: {  	[sflag:s7] =	ssyncset.done @!p0 $0x0  }
0xb3: {  	s23 =	simm.s32 $0x4F00;
	[sflag:s7] =	ssyncadd.s32 @!p0 $0xFFFFFF80  }
0xb4: {  	[tilespmem:s3], [sflag:$0x1] =	stream.indirect.gather [spmem:s4], $0x40, s23, s0, $0xb8;
	[tilespmem:$0x1D270] =	vst v63  }
0xb5: {  	s29 =	rddreg [dreg:$0x10]  }
0xb6: {  	[tilespmem:s30], [sflag:$0x3] =	stream.linear.gather [hbm4b:s29+s6], $0x80, $0x38;
	[tilespmem:$0x1D270] =	vst v63  }
0xb7: {  	_ =	swait.ge [sflag:s26], $0x2000  }
0xb8: {  	[sflag:s26] =	ssyncset.done $0x0  }
0xb9: {  	[sflag:s26] =	ssyncadd.s32 $0xFFFFE000  }
0xba: {  	_ =	swait.ge [sflag:s28], $0x80  }
0xbb: {  	[sflag:s28] =	ssyncset.done $0x0  }
0xbc: {  	[sflag:s28] =	ssyncadd.s32 $0xFFFFFF80  }
0xbd: {  	[spmem:s2] =	stream.indirect.scatter.add.f32 [tilespmem:s1], [sflag:$0x5], $0x40, s31, s0, $0xb8;
	[tilespmem:$0x1D270] =	vst v63  }
0xbe: {  	_ =	swait.ge [sflag:s22], $0x2000  }
0xbf: {  	[sflag:s22] =	ssyncset.done $0x0  }
0xc0: {  	[sflag:s22] =	ssyncadd.s32 $0xFFFFE000  }
0xc1: {  	[spmem:s5] =	stream.indirect.scatter.add.f32 @!p1 [tilespmem:s16], [sflag:$0x5], $0x1, s15, s17, $0xb8;
	[tilespmem:$0x1D270] =	vst v63  }
0xc2: {  	_ =	swait.ge @!p1 [sflag:s12], $0x80  }
0xc3: {  	[sflag:s12] =	ssyncset.done @!p1 $0x0  }
0xc4: {  	[sflag:s12] =	ssyncadd.s32 @!p1 $0xFFFFFF80  }
0xc5: {  	[tilespmem:s31], [sflag:$0x4] =	stream.linear.gather [hbm4b:s18+s6], $0x80, $0x38;
	[tilespmem:$0x1D270] =	vst v63  }
0xc6: {  	s19 =	simm.s32 $0x4F80  }
0xc7: {  	[tilespmem:s1], [sflag:$0x2] =	stream.indirect.gather [spmem:s4], $0x40, s19, s0, $0xb8;
	[tilespmem:$0x1D270] =	vst v63  }
0xc8: {  	_ =	swait.ge [sflag:s24], $0x2000  }
0xc9: {  	[sflag:s24] =	ssyncset.done $0x0  }
0xca: {  	[sflag:s24] =	ssyncadd.s32 $0xFFFFE000  }
0xcb: {  	_ =	swait.ge [sflag:s25], $0x80  }
0xcc: {  	[sflag:s25] =	ssyncset.done $0x0  }
0xcd: {  	[sflag:s25] =	ssyncadd.s32 $0xFFFFFF80  }
0xce: {  	[spmem:s2] =	stream.indirect.scatter.add.f32 [tilespmem:s3], [sflag:$0x5], $0x40, s30, s0, $0xb8;
	[tilespmem:$0x1D270] =	vst v63  }
0xcf: {  	_ =	swait.ge [sflag:s22], $0x2000  }
0xd0: {  	[sflag:s22] =	ssyncset.done $0x0  }
0xd1: {  	[sflag:s22] =	ssyncadd.s32 $0xFFFFE000  }
0xd2: {  	[spmem:s5] =	stream.indirect.scatter.add.f32 @!p0 [tilespmem:s11], [sflag:$0x5], $0x1, s14, s13, $0xb8;
	[tilespmem:$0x1D270] =	vst v63  }
0xd3: {  	_ =	swait.ge @!p0 [sflag:s7], $0x80  }
0xd4: {  	[sflag:s7] =	ssyncset.done @!p0 $0x0  }
0xd5: {  	[sflag:s7] =	ssyncadd.s32 @!p0 $0xFFFFFF80  }
0xd6: {  	[tilespmem:s3], [sflag:$0x1] =	stream.indirect.gather [spmem:s4], $0x40, s19, s0, $0xb8;
	[tilespmem:$0x1D270] =	vst v63  }
0xd7: {  	_ = 	snop  }
0xd8: {  	[tilespmem:s30], [sflag:$0x3] =	stream.linear.gather [hbm4b:s18+s6], $0x80, $0x38;
	[tilespmem:$0x1D270] =	vst v63  }
0xd9: {  	_ =	swait.ge [sflag:s26], $0x2000  }
0xda: {  	[sflag:s26] =	ssyncset.done $0x0  }
0xdb: {  	[sflag:s26] =	ssyncadd.s32 $0xFFFFE000  }
0xdc: {  	_ =	swait.ge [sflag:s28], $0x80  }
0xdd: {  	[sflag:s28] =	ssyncset.done $0x0  }
0xde: {  	[sflag:s28] =	ssyncadd.s32 $0xFFFFFF80  }
0xdf: {  	[spmem:s2] =	stream.indirect.scatter.add.f32 [tilespmem:s1], [sflag:$0x5], $0x40, s31, s0, $0xb8;
	[tilespmem:$0x1D270] =	vst v63  }
0xe0: {  	_ =	swait.ge [sflag:s22], $0x2000  }
0xe1: {  	[sflag:s22] =	ssyncset.done $0x0  }
0xe2: {  	[sflag:s22] =	ssyncadd.s32 $0xFFFFE000  }
0xe3: {  	[spmem:s5] =	stream.indirect.scatter.add.f32 @!p1 [tilespmem:s16], [sflag:$0x5], $0x1, s15, s17, $0xb8;
	[tilespmem:$0x1D270] =	vst v63  }
0xe4: {  	_ =	swait.ge @!p1 [sflag:s12], $0x80  }
0xe5: {  	[sflag:s12] =	ssyncset.done @!p1 $0x0  }
0xe6: {  	[sflag:s12] =	ssyncadd.s32 @!p1 $0xFFFFFF80  }
0xe7: {  	[tilespmem:s31], [sflag:$0x4] =	stream.linear.gather [hbm4b:s18+s6], $0x80, $0x38;
	[tilespmem:$0x1D270] =	vst v63  }
0xe8: {  	_ =	swait.ge [sflag:s24], $0x2000  }
0xe9: {  	[sflag:s24] =	ssyncset.done $0x0  }
0xea: {  	[sflag:s24] =	ssyncadd.s32 $0xFFFFE000  }
0xeb: {  	_ =	swait.ge [sflag:s25], $0x80  }
0xec: {  	[sflag:s25] =	ssyncset.done $0x0  }
0xed: {  	[sflag:s25] =	ssyncadd.s32 $0xFFFFFF80  }
0xee: {  	_ =	swait.ge [sflag:s28], $0x80  }
0xef: {  	[sflag:s28] =	ssyncset.done $0x0  }
0xf0: {  	[sflag:s28] =	ssyncadd.s32 $0xFFFFFF80  }
0xf1: {  	[bflag:$0x0] =	sbarrier.arrive $0xFFFF  }
0xf2: {  	s21 =	rddreg [dreg:$0xd]  }
0xf3: {  	s10 =	rddreg [dreg:$0x11]  }
0xf4: {  	[hbm:s21], [sflag:s9] =	dma.local [spmem:s10], $0x13C0  }
0xf5: {  	_ =	swait.ge [sflag:s22], $0x13C0  }
0xf6: {  	[sflag:s22] =	ssyncset.done $0x0  }
0xf7: {  	s14 =	simm.s32 $0x9180;
	s11 =	rddreg [dreg:$0xa];
	[sflag:s22] =	ssyncadd.s32 $0xFFFFEC40  }
0xf8: {  	[tilespmem:s14], [sflag:$0x5] =	stream.linear.gather [spmem:s11], $0x278, $0x38;
	[tilespmem:$0x1D270] =	vst v63  }
0xf9: {  	_ =	swait.ge [sflag:s22], $0x278  }
0xfa: {  	[sflag:s22] =	ssyncset.done $0x0  }
0xfb: {  	s23 =	rddreg [dreg:$0xe];
	[sflag:s22] =	ssyncadd.s32 $0xFFFFFD88  }
0xfc: {  	[hbm4b:s23+s6] =	stream.linear.scatter [tilespmem:s14], [sflag:$0x5], $0x278, $0x38;
	[tilespmem:$0x1D270] =	vst v63  }
0xfd: {  	_ =	swait.ge [sflag:s22], $0x278  }
0xfe: {  	s8 =	sadd.s32 $0x1, s8;
	s29 =	rddreg [dreg:$0xf]  }
0xff: {  	p2 =	sne.s32 s8, s29  }
.Ltmp1:
0x100: {  	_ = 	snop;
	(pc) =	sbr.rel @p2 .LBB2_1-.Ltmp1, $3  }
0x101: {  	_ =	sdelay $0x1  }
0x102: {  	[sflag:s22] =	ssyncset.done $0x0  }
0x103: {  	[sflag:s22] =	ssyncadd.s32 $0xFFFFFD88  }
0x104: {  	_ =	sfence.sel $0x180000  }
0x105: {  	[bflag:$0x0] =	sbarrier.arrive $0xFFFF  }
0x106: {  	_ =	strace $0x90000047  }
0x107: {  	s0 =	stileid.u32;
	[bflag:$0x2] =	sbarrier.arrive $0xFFFF  }
0x108: {  	p0 =	sne.s32 s0, $0x0;
	s0 =	rddreg [dreg:$0x5]  }
0x109: {  	s0 =	sadd.s32 @!p0 $0x100000, s0  }
0x10a: {  	[sflag:s0] =	ssyncadd.tile.s32 @!p0 $0x1;
	_ =	shalt  }
.Lfunc_end2:
_tile_overlayer_lowered:
.L_overlay_start_2:
0x10b: {  	(tag) =	ssettag $0x2  }
0x10c: {  	s0 =	rddreg [dreg:$0x0];
	s2 =	stileid.u32  }
0x10d: {  	s1 =	rddreg [dreg:$0x1];
	p0 =	sne.s32 s2, $0x0  }
0x10e: {  	s3 =	rddreg [dreg:$0x2];
	[bflag:$0x3] =	sbarrier.arrive $0xFFFF;
	s2 =	simm.s32 @!p0 $0x1C05  }
0x10f: {  	[timem:s3], [sflag:s2] =	dma.local @!p0 [hbm:s0], s1  }
0x110: {  	s0 =	simm.s32 @!p0 $0x5  }
0x111: {  	_ =	swait.ge @!p0 [sflag:s0], s1  }
0x112: {  	s1 =	ssub.s32 @!p0 $0x0, s1;
	[sflag:s0] =	ssyncset.done @!p0 $0x0  }
0x113: {  	[sflag:s0] =	ssyncadd.s32 @!p0 s1  }
0x114: {  	[bflag:$0x3] =	sbarrier.arrive $0xFFFF  }
0x115: {  	_ =	shalt  }

// kernel: kernel.9.cloned.1.call-start
scs
__scs_entry_jumppad:
0x0: {  	(pc) =	sbr.rel $0x88, $3  }
0x1: {  	(tag) =	ssettag $0x0;
	lr =	simm.s32 $0x1  }
0x2: {  	[smem:$0x3F99] =	sst lr;
	_ =	strace $0xD0000000  }
0x3: {  	_ = 	snop  }
0x4: {  	_ = 	snop  }
0x5: {  	_ = 	snop  }
0x6: {  	_ = 	snop  }
0x7: {  	_ = 	snop  }
__scs_overlays_trampoline_lowered:
0x8: {  	[smem:$0x3FA8] =	sst s0  }
0x9: {  	[smem:$0x3FA9] =	sst s1  }
0xa: {  	[smem:$0x3FAA] =	sst s2  }
0xb: {  	[smem:$0x3FAB] =	sst s3  }
0xc: {  	[smem:$0x3FAC] =	sst s4  }
0xd: {  	[smem:$0x3FAD] =	sst s5  }
0xe: {  	[smem:$0x3FAE] =	sst s6  }
0xf: {  	[smem:$0x3FAF] =	sst s7  }
0x10: {  	[smem:$0x3FB0] =	sst s8  }
0x11: {  	[smem:$0x3FB1] =	sst s9;
	s0 =	simm.s32 @!p0 $0x0  }
0x12: {  	s1 =	sld [smem:$0x3F97];
	s0 =	simm.s32 @p0 $0x1  }
0x13: {  	[smem:$0x3FB2] =	sst s0;
	s0 =	simm.s32 @!p1 $0x0  }
0x14: {  	s2 =	sld [smem:$0x3F96];
	s0 =	simm.s32 @p1 $0x1  }
0x15: {  	[smem:$0x3FB3] =	sst s0;
	s0 =	simm.s32 @!p2 $0x0  }
0x16: {  	s3 =	sld [smem:$0x3FDB];
	s0 =	simm.s32 @p2 $0x1  }
0x17: {  	s4 =	simm.s32 $0x1BF5;
	[smem:$0x3FB5] =	sst s0  }
0x18: {  	s0 =	sld [smem:$0x3F98];
	_ =	swait.ge [sflag:s4], $0x0  }
0x19: {  	s7 =	sld [smem:$0x3F99]  }
0x1a: {  	s8 =	sadd.s32 $0xFFFFE003, lr  }
0x1b: {  	s9 =	sadd.s32 $0xFFFFFEF7, lr;
	s5 =	simm.s32 $0xFFFFFFFF;
	p2 =	slt.u32 s8, $0xFFFFF086  }
0x1c: {  	p1 =	slt.u32 s9, $0xF7A;
	s5 =	simm.s32 @!p2 $0x0  }
0x1d: {  	s5 =	simm.s32 @p1 $0x1;
	p0 =	seq.s32 s7, s2  }
0x1e: {  	s7 =	smul.u32 @!p0 $0xF7A, s2;
	p2 =	seq.s32 @!p0 s5, $0x0  }
0x1f: {  	s9 =	smul.u32 $0xF7A, s1;
	s8 =	simm.s32 @!p0 $0x1BF5;
	p2 =	por !p2, p0  }
0x20: {  	[sflag:s8] =	ssyncset.s32 @!p0 $0xFFFFF086;
	s6 =	sadd.s32 @!p0 s3, s7;
	s7 =	simm.s32 @!p0 $0x108  }
0x21: {  	s3 =	sadd.s32 s3, s9;
	s6 =	sadd.s32 @!p0 $0x88, s6;
	s7 =	simm.s32 @p2 $0x1082  }
0x22: {  	[simem:s7], [sflag:s8] =	dma.local @!p0 [hbm:s6], $0xF7A  }
0x23: {  	s9 =	sor.u32 $0xD0000000, s2;
	s6 =	simm.s32 $0x108;
	_ =	swait.ge @!p0 [sflag:s8], $0x0  }
0x24: {  	s3 =	sadd.s32 $0x88, s3;
	s6 =	simm.s32 @!p1 $0x1082;
	[sflag:s4] =	ssyncset.s32 $0xFFFFF086  }
0x25: {  	[simem:s6], [sflag:s4] =	dma.local [hbm:s3], $0xF7A  }
0x26: {  	[smem:$0x3F99] =	sst s1;
	(tag) =	ssettag s2;
	_ =	strace s9  }
0x27: {  	s1 =	sld [smem:$0x3FA9]  }
0x28: {  	s2 =	sld [smem:$0x3FAA]  }
0x29: {  	s4 =	sld [smem:$0x3FAC]  }
0x2a: {  	p0 =	seq.s32 s5, $0x0;
	s5 =	sld [smem:$0x3FAD]  }
0x2b: {  	s6 =	sld [smem:$0x3FAE]  }
0x2c: {  	s7 =	sld [smem:$0x3FAF]  }
0x2d: {  	s3 =	simm.s32 $0x108;
	s8 =	sld [smem:$0x3FB0]  }
0x2e: {  	s3 =	simm.s32 @!p0 $0x1082;
	s9 =	sld [smem:$0x3FB1]  }
0x2f: {  	lr =	sadd.s32 s0, s3;
	s0 =	sld [smem:$0x3FA8]  }
0x30: {  	s3 =	sld [smem:$0x3FAB]  }
0x31: {  	[smem:$0x3FB4] =	sst s10  }
0x32: {  	s10 =	sld [smem:$0x3FB2];
	_ =	sdelay $0x3  }
0x33: {  	p0 =	seq.s32 s10, $0x1;
	s10 =	sld [smem:$0x3FB4];
	_ =	sdelay $0x3  }
0x34: {  	[smem:$0x3FB4] =	sst s10  }
0x35: {  	s10 =	sld [smem:$0x3FB3];
	_ =	sdelay $0x3  }
0x36: {  	p1 =	seq.s32 s10, $0x1;
	s10 =	sld [smem:$0x3FB4];
	_ =	sdelay $0x3  }
0x37: {  	[smem:$0x3FB4] =	sst s10  }
0x38: {  	s10 =	sld [smem:$0x3FB5]  }
0x39: {  	_ = 	snop;
	(pc) =	sbr.ind lr, $3  }
0x3a: {  	_ = 	snop  }
0x3b: {  	_ = 	snop  }
0x3c: {  	p2 =	seq.s32 s10, $0x1;
	s10 =	sld [smem:$0x3FB4]  }
0x3d: {  	_ =	shalt  }
0x3e: {  	_ =	shalt  }
0x3f: {  	_ =	shalt  }
0x40: {  	_ =	shalt  }
0x41: {  	_ =	shalt  }
0x42: {  	_ =	shalt  }
0x43: {  	_ =	shalt  }
0x44: {  	_ =	shalt  }
0x45: {  	_ =	shalt  }
0x46: {  	_ =	shalt  }
0x47: {  	_ =	shalt  }
0x48: {  	_ =	shalt  }
0x49: {  	_ =	shalt  }
0x4a: {  	_ =	shalt  }
0x4b: {  	_ =	shalt  }
0x4c: {  	_ =	shalt  }
0x4d: {  	_ =	shalt  }
0x4e: {  	_ =	shalt  }
0x4f: {  	_ =	shalt  }
0x50: {  	_ =	shalt  }
0x51: {  	_ =	shalt  }
0x52: {  	_ =	shalt  }
0x53: {  	_ =	shalt  }
0x54: {  	_ =	shalt  }
0x55: {  	_ =	shalt  }
0x56: {  	_ =	shalt  }
0x57: {  	_ =	shalt  }
0x58: {  	_ =	shalt  }
0x59: {  	_ =	shalt  }
0x5a: {  	_ =	shalt  }
0x5b: {  	_ =	shalt  }
0x5c: {  	_ =	shalt  }
0x5d: {  	_ =	shalt  }
0x5e: {  	_ =	shalt  }
0x5f: {  	_ =	shalt  }
0x60: {  	_ =	shalt  }
0x61: {  	_ =	shalt  }
0x62: {  	_ =	shalt  }
0x63: {  	_ =	shalt  }
0x64: {  	_ =	shalt  }
0x65: {  	_ =	shalt  }
0x66: {  	_ =	shalt  }
0x67: {  	_ =	shalt  }
0x68: {  	_ =	shalt  }
0x69: {  	_ =	shalt  }
0x6a: {  	_ =	shalt  }
0x6b: {  	_ =	shalt  }
0x6c: {  	_ =	shalt  }
0x6d: {  	_ =	shalt  }
0x6e: {  	_ =	shalt  }
0x6f: {  	_ =	shalt  }
0x70: {  	_ =	shalt  }
0x71: {  	_ =	shalt  }
0x72: {  	_ =	shalt  }
0x73: {  	_ =	shalt  }
0x74: {  	_ =	shalt  }
0x75: {  	_ =	shalt  }
0x76: {  	_ =	shalt  }
0x77: {  	_ =	shalt  }
0x78: {  	_ =	shalt  }
0x79: {  	_ =	shalt  }
0x7a: {  	_ =	shalt  }
0x7b: {  	_ =	shalt  }
0x7c: {  	_ =	shalt  }
0x7d: {  	_ =	shalt  }
0x7e: {  	_ =	shalt  }
0x7f: {  	_ =	shalt  }
0x80: {  	_ =	shalt  }
0x81: {  	_ =	shalt  }
0x82: {  	_ =	shalt  }
0x83: {  	_ =	shalt  }
0x84: {  	_ =	shalt  }
0x85: {  	_ =	shalt  }
0x86: {  	_ =	shalt  }
0x87: {  	_ =	shalt  }
.Lfunc_end0:
.L_simem_size_0:
called_computation.1_lowered:
.L_overlay_start_0:
0x88: {  	s2 =	sld [smem:$0x3FD9]  }
0x89: {  	s3 =	sld [smem:$0x3FFE];
	_ =	sdelay $0x1  }
0x8a: {  	s1 =	srdreg.scid  }
0x8b: {  	s0 =	sand.u32 $0x1, s1  }
0x8c: {  	s17 =	sshll.u32 s0, $0xA;
	s2 =	sadd.s32 s3, s2  }
0x8d: {  	s2 =	sadd.s32 s2, s17  }
0x8e: {  	[smem:$0x3FC0] =	sst s2  }
0x8f: {  	_ = 	snop  }
0x90: {  	s2 =	sld [smem:$0x3FD0];
	(tm) =	ssettm $0x1  }
0x91: {  	s18 =	sld [smem:$0x3FFB];
	_ =	sdelay $0x3  }
0x92: {  	_ =	strace s18  }
0x93: {  	s3 =	sld [smem:$0x3FFC];
	_ =	sdelay $0x3  }
0x94: {  	_ =	strace s3  }
0x95: {  	s3 =	sld [smem:$0x3FFD];
	_ =	sdelay $0x3  }
0x96: {  	_ =	strace s3  }
0x97: {  	_ =	strace $0x8FFFFFFF  }
0x98: {  	s19 =	sld [smem:$0x3FDB];
	_ =	sdelay $0x1  }
0x99: {  	s4 =	simm.s32 $_scs_section_size  }
0x9a: {  	s5 =	simm.s32 $_size__tile_overlayer_lowered;
	s6 =	simm.s32 $_tile_overlayer_lowered  }
0x9b: {  	s22 =	simm.s32 $0x1BFF;
	s21 =	sshll.u32 s6, $0x1;
	s3 =	sadd.s32 s4, s19  }
0x9c: {  	s7 =	simm.s32 $0x0;
	s20 =	sshll.u32 s5, $0x1;
	s5 =	sadd.s32 s21, s3  }
0x9d: {  	[timem:s7], [sflag:s22] =	dma.local [hbm:s5], s20  }
0x9e: {  	_ =	swait.ge [sflag:s22], s20  }
0x9f: {  	s4 =	ssub.s32 $0x0, s20;
	[sflag:s22] =	ssyncset.done $0x0  }
0xa0: {  	[sflag:s22] =	ssyncadd.s32 s4;
	_ =	sdelay $0x1  }
0xa1: {  	s23 =	simm.s32 $0x1B8B  }
0xa2: {  	_ =	swait.ge [sflag:s23], $0x1  }
0xa3: {  	[sflag:s23] =	ssyncset.done $0x0  }
0xa4: {  	s25 =	simm.s32 $0x1B8E;
	s24 =	sld [smem:$0x3FFE];
	[sflag:s23] =	ssyncadd.s32 $0xFFFFFFFF  }
0xa5: {  	s26 =	simm.s32 $execute0_lowered;
	[smem:$0x3FD2] =	sst s25  }
0xa6: {  	s5 =	sshll.u32 s26, $0x1;
	_ =	strace $0x80000049;
	[dreg:$0x1] =	wrdreg $0xFFFFFFFF  }
0xa7: {  	s28 =	simm.s32 $_size_execute0_lowered;
	s3 =	sadd.s32 s3, s5;
	[dreg:$0x0] =	wrdreg $0x0  }
0xa8: {  	s5 =	sshll.u32 s28, $0x1;
	[dreg:$0x2] =	wrdreg s3  }
0xa9: {  	[dreg:$0x3] =	wrdreg s5  }
0xaa: {  	[dreg:$0x4] =	wrdreg $0xC0  }
0xab: {  	_ =	task [dreg:s7], $0x5FFFF  }
0xac: {  	[dreg:$0x1] =	wrdreg $0xFFFFFFFF  }
0xad: {  	[dreg:$0x0] =	wrdreg $0x60  }
0xae: {  	[dreg:$0x2] =	wrdreg s24  }
0xaf: {  	[dreg:$0x3] =	wrdreg s2  }
0xb0: {  	[dreg:$0x4] =	wrdreg $0xCF800  }
0xb1: {  	[dreg:$0x5] =	wrdreg $0x59000  }
0xb2: {  	[dreg:$0x6] =	wrdreg $0x9  }
0xb3: {  	_ =	task.clear_ibuf [dreg:s7], $0x7FFFF;
	_ =	strace $0x90000049  }
0xb4: {  	s29 =	simm.s32 $0x9;
	_ =	strace $0x8000004B  }
0xb5: {  	_ =	swait.ge [sflag:s29], $0x1  }
0xb6: {  	[sflag:s29] =	ssyncadd.s32 $0xFFFFFFFF  }
0xb7: {  	_ =	strace $0x9000004B  }
0xb8: {  	_ =	sfence  }
0xb9: {  	s30 =	sld [smem:$0x0];
	_ =	sdelay $0x2  }
0xba: {  	s31 =	sshll.u32 s1, $0xD;
	s1 =	sshrl.u32 s1, $0x2  }
0xbb: {  	s3 =	sand.u32 $0x4000, s31;
	s1 =	sadd.s32 s1, s30  }
0xbc: {  	s0 =	sor.u32 s3, s0;
	s1 =	sshll.u32 s1, $0x11  }
0xbd: {  	s0 =	sor.u32 s1, s0  }
0xbe: {  	s0 =	sadd.s32 $0x8F2B, s0  }
0xbf: {  	[sflag:s0] =	ssyncadd.remote.s32 $0x1  }
0xc0: {  	_ =	sfence.sel $0xFFFF  }
0xc1: {  	[dreg:$0x0] =	wrdreg $0xFFFFFFFF;
	(pc) =	sbr.abs _section_cstart, $3  }
0xc2: {  	[dreg:$0x1] =	wrdreg $0xFFFFFFFF  }
0xc3: {  	_ =	task.clear_ibuf [dreg:s7], $0x2FFFF;
	_ =	strace $0x9FFFFFFF  }
0xc4: {  	(tm) =	ssettm $0x7FFFFFFF  }
0xc5: {  	_ =	shalt  }
tec
execute0_lowered:
.L_overlay_start_1:
0x0: {  	(tag) =	ssettag $0x1  }
0x1: {  	s0 =	srdreg.scid  }
0x2: {  	s11 =	stileid.u32;
	s1 =	rddreg [dreg:$0x0]  }
0x3: {  	s5 =	rddreg [dreg:$0x1];
	s4 =	simm.s32 $0x0;
	s18 =	simm.s32 $0x5  }
0x4: {  	s20 =	simm.s32 $0x2800;
	s21 =	simm.s32 $0x2880;
	s28 =	simm.s32 $0x2  }
0x5: {  	s29 =	simm.s32 $0x4;
	s0 =	sand.u32 $0x1, s0;
	s2 =	sshll.u32 s11, $0x1  }
0x6: {  	s7 =	smul.u32 $0x7680, s11;
	[smem:$0x7FF] =	sst s4;
	s16 =	sadd.s32 $0x1E00, s1  }
0x7: {  	s12 =	sadd.s32 $0x15E00, s1;
	s26 =	sshll.u32 s11, $0x6;
	s13 =	smul.u32 $0x5000, s11  }
0x8: {  	s3 =	sor.u32 s0, s2;
	s2 =	rddreg [dreg:$0x2];
	s8 =	smul.u32 $0x76800, s0  }
0x9: {  	s23 =	ssub.s32 $0x2, s0;
	s6 =	smul.u32 $0x2800, s3;
	s3 =	rddreg [dreg:$0x3]  }
0xa: {  	s0 =	smul.u32 $0x2800, s0;
	_ =	strace $0x8000004A;
	[dreg:$0x5] =	wrdreg s12  }
0xb: {  	s24 =	sshrl.u32 s23, $0x1;
	s17 =	sadd.s32 s7, s2;
	s30 =	sshrl.u32 s7, $0x3  }
0xc: {  	s22 =	sadd.s32 s7, s8;
	s25 =	ssub.s32 s23, s24;
	s19 =	sadd.s32 s7, s3  }
0xd: {  	s5 =	sadd.s32 s5, s30;
	s0 =	sadd.s32 s0, s13;
	s17 =	sshrl.u32 s17, $0x3  }
0xe: {  	s23 =	simm.s32 $0x80;
	s24 =	simm.s32 $0x4100;
	s9 =	sshrl.u32 s6, $0x3  }
0xf: {  	s6 =	sshrl.u32 s22, $0x3;
	[dreg:$0x6] =	wrdreg s5;
	s12 =	smax.u32 s25, $0x1  }
0x10: {  	s31 =	sor.u32 $0x100, s0;
	s0 =	sor.u32 $0x180, s0;
	s19 =	sshrl.u32 s19, $0x3  }
0x11: {  	s22 =	simm.s32 $0x2900;
	s25 =	simm.s32 $0x1;
	s10 =	sadd.s32 s9, s1  }
0x12: {  	s1 =	sadd.s32 s6, s1;
	s6 =	sor.u32 $0x1C05, s26;
	s7 =	sadd.s32 s16, s9  }
0x13: {  	s0 =	sshrl.u32 s0, $0x3;
	s26 =	simm.s32 $0x3;
	s9 =	sadd.s32 $0xBE00, s10  }
0x14: {  	s10 =	sadd.s32 $0x10, s7;
	s11 =	sadd.s32 $0x16E00, s1;
	s1 =	sshrl.u32 s31, $0x3  }
0x15: {  	s13 =	sadd.s32 $0x4F0, s7;
	s14 =	sadd.s32 $0x4E0, s7;
	s15 =	sadd.s32 s1, s16  }
0x16: {  	s16 =	sadd.s32 s0, s16;
	s1 =	simm.s32 $0x2780;
	s0 =	simm.s32 $0x0  }
.LBB2_1:
0x17: {  	s5 =	rddreg [dreg:$0x5]  }
0x18: {  	[spmem:s17], [sflag:s6] =	dma.local [hbm:s5], $0xED0  }
0x19: {  	_ =	swait.ge [sflag:s18], $0xED0  }
0x1a: {  	[sflag:s18] =	ssyncset.done $0x0  }
0x1b: {  	s8 =	rddreg [dreg:$0x6];
	[sflag:s18] =	ssyncadd.s32 $0xFFFFF130  }
0x1c: {  	[spmem:s19], [sflag:s6] =	dma.local [hbm:s8], $0xED0  }
0x1d: {  	_ =	swait.ge [sflag:s18], $0xED0  }
0x1e: {  	[sflag:s18] =	ssyncset.done $0x0  }
0x1f: {  	[sflag:s18] =	ssyncadd.s32 $0xFFFFF130  }
0x20: {  	[tilespmem:s4], [sflag:$0x5] =	stream.linear.gather [hbm4b:s9+s4], $0x2800, $0x38;
	[tilespmem:$0x14600] =	vst v63  }
0x21: {  	_ =	swait.ge [sflag:s18], $0x2800  }
0x22: {  	[sflag:s18] =	ssyncset.done $0x0  }
0x23: {  	[sflag:s18] =	ssyncadd.s32 $0xFFFFD800  }
0x24: {  	[bflag:$0x0] =	sbarrier.arrive $0xFFFF  }
0x25: {  	[tilespmem:s20], [sflag:$0x3] =	stream.linear.gather [hbm4b:s7+s4], $0x80, $0x38;
	[tilespmem:$0x14600] =	vst v63  }
0x26: {  	_ = 	snop  }
0x27: {  	[tilespmem:s21], [sflag:$0x4] =	stream.linear.gather [hbm4b:s10+s4], $0x80, $0x38;
	[tilespmem:$0x14600] =	vst v63  }
0x28: {  	_ = 	snop  }
0x29: {  	[tilespmem:s22], [sflag:$0x1] =	stream.indirect.gather [spmem:s3], $0x30, s4, s23, $0xb8;
	[tilespmem:$0x14600] =	vst v63  }
0x2a: {  	_ = 	snop  }
0x2b: {  	[tilespmem:s24], [sflag:$0x2] =	stream.indirect.gather [spmem:s3], $0x30, s23, s23, $0xb8;
	[tilespmem:$0x14600] =	vst v63  }
0x2c: {  	_ =	swait.ge [sflag:s25], $0x1800  }
0x2d: {  	[sflag:s25] =	ssyncset.done $0x0  }
0x2e: {  	[sflag:s25] =	ssyncadd.s32 $0xFFFFE800  }
0x2f: {  	_ =	swait.ge [sflag:s26], $0x80  }
0x30: {  	[sflag:s26] =	ssyncset.done $0x0  }
0x31: {  	[sflag:s26] =	ssyncadd.s32 $0xFFFFFF80  }
0x32: {  	[spmem:s2] =	stream.indirect.scatter.add.f32 [tilespmem:s22], [sflag:$0x5], $0x30, s20, s23, $0xb8;
	[tilespmem:$0x14600] =	vst v63  }
0x33: {  	_ =	swait.ge [sflag:s18], $0x1800  }
0x34: {  	[sflag:s18] =	ssyncset.done $0x0  }
0x35: {  	s8 =	simm.s32 $0x100;
	[sflag:s18] =	ssyncadd.s32 $0xFFFFE800  }
0x36: {  	[tilespmem:s22], [sflag:$0x1] =	stream.indirect.gather [spmem:s3], $0x30, s8, s23, $0xb8;
	[tilespmem:$0x14600] =	vst v63  }
0x37: {  	s8 =	sadd.s32 $0x0, s15  }
0x38: {  	[tilespmem:s20], [sflag:$0x3] =	stream.linear.gather [hbm4b:s8+s4], $0x80, $0x38;
	[tilespmem:$0x14600] =	vst v63  }
0x39: {  	_ =	swait.ge [sflag:s28], $0x1800  }
0x3a: {  	[sflag:s28] =	ssyncset.done $0x0  }
0x3b: {  	[sflag:s28] =	ssyncadd.s32 $0xFFFFE800  }
0x3c: {  	_ =	swait.ge [sflag:s29], $0x80  }
0x3d: {  	[sflag:s29] =	ssyncset.done $0x0  }
0x3e: {  	[sflag:s29] =	ssyncadd.s32 $0xFFFFFF80  }
0x3f: {  	[spmem:s2] =	stream.indirect.scatter.add.f32 [tilespmem:s24], [sflag:$0x5], $0x30, s21, s23, $0xb8;
	[tilespmem:$0x14600] =	vst v63  }
0x40: {  	_ =	swait.ge [sflag:s18], $0x1800  }
0x41: {  	s30 =	simm.s32 $0x20;
	[sflag:s18] =	ssyncset.done $0x0  }
0x42: {  	s31 =	simm.s32 $0x180;
	s5 =	sadd.s32 $0x0, s16;
	[sflag:s18] =	ssyncadd.s32 $0xFFFFE800  }
.LBB2_2:
0x43: {  	[tilespmem:s21], [sflag:$0x4] =	stream.linear.gather [hbm4b:s5+s4], $0x80, $0x38;
	[tilespmem:$0x14600] =	vst v63  }
0x44: {  	p0 =	sne.s32 s30, $0x4A0;
	s5 =	smov.u32 s30;
	s30 =	sadd.s32 $0x20, s30  }
0x45: {  	[tilespmem:s24], [sflag:$0x2] =	stream.indirect.gather [spmem:s3], $0x30, s31, s23, $0xb8;
	[tilespmem:$0x14600] =	vst v63  }
0x46: {  	_ =	swait.ge [sflag:s25], $0x1800  }
0x47: {  	[sflag:s25] =	ssyncset.done $0x0  }
0x48: {  	[sflag:s25] =	ssyncadd.s32 $0xFFFFE800  }
0x49: {  	_ =	swait.ge [sflag:s26], $0x80  }
0x4a: {  	[sflag:s26] =	ssyncset.done $0x0  }
0x4b: {  	[sflag:s26] =	ssyncadd.s32 $0xFFFFFF80  }
0x4c: {  	[spmem:s2] =	stream.indirect.scatter.add.f32 [tilespmem:s22], [sflag:$0x5], $0x30, s20, s23, $0xb8;
	[tilespmem:$0x14600] =	vst v63  }
0x4d: {  	_ =	swait.ge [sflag:s18], $0x1800  }
0x4e: {  	[sflag:s18] =	ssyncset.done $0x0  }
0x4f: {  	s8 =	sadd.s32 $0x80, s31;
	[sflag:s18] =	ssyncadd.s32 $0xFFFFE800  }
0x50: {  	[tilespmem:s22], [sflag:$0x1] =	stream.indirect.gather [spmem:s3], $0x30, s8, s23, $0xb8;
	[tilespmem:$0x14600] =	vst v63  }
0x51: {  	s8 =	sadd.s32 s5, s15  }
0x52: {  	[tilespmem:s20], [sflag:$0x3] =	stream.linear.gather [hbm4b:s8+s4], $0x80, $0x38;
	[tilespmem:$0x14600] =	vst v63  }
0x53: {  	_ =	swait.ge [sflag:s28], $0x1800  }
0x54: {  	[sflag:s28] =	ssyncset.done $0x0  }
0x55: {  	[sflag:s28] =	ssyncadd.s32 $0xFFFFE800  }
0x56: {  	_ =	swait.ge [sflag:s29], $0x80  }
0x57: {  	[sflag:s29] =	ssyncset.done $0x0  }
.Ltmp0:
0x58: {  	[sflag:s29] =	ssyncadd.s32 $0xFFFFFF80;
	(pc) =	sbr.rel @p0 .LBB2_2-.Ltmp0, $4  }
0x59: {  	[spmem:s2] =	stream.indirect.scatter.add.f32 [tilespmem:s24], [sflag:$0x5], $0x30, s21, s23, $0xb8;
	[tilespmem:$0x14600] =	vst v63  }
0x5a: {  	_ =	swait.ge [sflag:s18], $0x1800  }
0x5b: {  	[sflag:s18] =	ssyncset.done $0x0  }
0x5c: {  	s31 =	sadd.s32 $0x100, s31;
	s5 =	sadd.s32 s5, s16;
	[sflag:s18] =	ssyncadd.s32 $0xFFFFE800  }
0x5d: {  	[tilespmem:s21], [sflag:$0x4] =	stream.linear.gather [hbm4b:s5+s4], $0x80, $0x38;
	[tilespmem:$0x14600] =	vst v63  }
0x5e: {  	s30 =	simm.s32 $0x2680  }
0x5f: {  	[tilespmem:s24], [sflag:$0x2] =	stream.indirect.gather [spmem:s3], $0x30, s30, s23, $0xb8;
	[tilespmem:$0x14600] =	vst v63  }
0x60: {  	_ =	swait.ge [sflag:s25], $0x1800  }
0x61: {  	[sflag:s25] =	ssyncset.done $0x0  }
0x62: {  	[sflag:s25] =	ssyncadd.s32 $0xFFFFE800  }
0x63: {  	_ =	swait.ge [sflag:s26], $0x80  }
0x64: {  	[sflag:s26] =	ssyncset.done $0x0  }
0x65: {  	[sflag:s26] =	ssyncadd.s32 $0xFFFFFF80  }
0x66: {  	[spmem:s2] =	stream.indirect.scatter.add.f32 [tilespmem:s22], [sflag:$0x5], $0x30, s20, s23, $0xb8;
	[tilespmem:$0x14600] =	vst v63  }
0x67: {  	_ =	swait.ge [sflag:s18], $0x1800  }
0x68: {  	[sflag:s18] =	ssyncset.done $0x0  }
0x69: {  	s31 =	simm.s32 $0x2700;
	[sflag:s18] =	ssyncadd.s32 $0xFFFFE800  }
0x6a: {  	[tilespmem:s22], [sflag:$0x1] =	stream.indirect.gather [spmem:s3], $0x30, s31, s23, $0xb8;
	[tilespmem:$0x14600] =	vst v63  }
0x6b: {  	_ = 	snop  }
0x6c: {  	[tilespmem:s20], [sflag:$0x3] =	stream.linear.gather [hbm4b:s14+s4], $0x80, $0x38;
	[tilespmem:$0x14600] =	vst v63  }
0x6d: {  	_ =	swait.ge [sflag:s28], $0x1800  }
0x6e: {  	[sflag:s28] =	ssyncset.done $0x0  }
0x6f: {  	[sflag:s28] =	ssyncadd.s32 $0xFFFFE800  }
0x70: {  	_ =	swait.ge [sflag:s29], $0x80  }
0x71: {  	[sflag:s29] =	ssyncset.done $0x0  }
0x72: {  	[sflag:s29] =	ssyncadd.s32 $0xFFFFFF80  }
0x73: {  	[spmem:s2] =	stream.indirect.scatter.add.f32 [tilespmem:s24], [sflag:$0x5], $0x30, s21, s23, $0xb8;
	[tilespmem:$0x14600] =	vst v63  }
0x74: {  	_ =	swait.ge [sflag:s18], $0x1800  }
0x75: {  	[sflag:s18] =	ssyncset.done $0x0  }
0x76: {  	[sflag:s18] =	ssyncadd.s32 $0xFFFFE800  }
0x77: {  	[tilespmem:s21], [sflag:$0x4] =	stream.linear.gather [hbm4b:s13+s4], $0x80, $0x38;
	[tilespmem:$0x14600] =	vst v63  }
0x78: {  	_ = 	snop  }
0x79: {  	[tilespmem:s24], [sflag:$0x2] =	stream.indirect.gather [spmem:s3], $0x30, s1, s23, $0xb8;
	[tilespmem:$0x14600] =	vst v63  }
0x7a: {  	_ =	swait.ge [sflag:s25], $0x1800  }
0x7b: {  	[sflag:s25] =	ssyncset.done $0x0  }
0x7c: {  	[sflag:s25] =	ssyncadd.s32 $0xFFFFE800  }
0x7d: {  	_ =	swait.ge [sflag:s26], $0x80  }
0x7e: {  	[sflag:s26] =	ssyncset.done $0x0  }
0x7f: {  	[sflag:s26] =	ssyncadd.s32 $0xFFFFFF80  }
0x80: {  	[spmem:s2] =	stream.indirect.scatter.add.f32 [tilespmem:s22], [sflag:$0x5], $0x30, s20, s23, $0xb8;
	[tilespmem:$0x14600] =	vst v63  }
0x81: {  	_ =	swait.ge [sflag:s18], $0x1800  }
0x82: {  	[sflag:s18] =	ssyncset.done $0x0  }
0x83: {  	[sflag:s18] =	ssyncadd.s32 $0xFFFFE800  }
0x84: {  	[tilespmem:s22], [sflag:$0x1] =	stream.indirect.gather [spmem:s3], $0x30, s1, s23, $0xb8;
	[tilespmem:$0x14600] =	vst v63  }
0x85: {  	_ = 	snop  }
0x86: {  	[tilespmem:s20], [sflag:$0x3] =	stream.linear.gather [hbm4b:s13+s4], $0x80, $0x38;
	[tilespmem:$0x14600] =	vst v63  }
0x87: {  	_ =	swait.ge [sflag:s28], $0x1800  }
0x88: {  	[sflag:s28] =	ssyncset.done $0x0  }
0x89: {  	[sflag:s28] =	ssyncadd.s32 $0xFFFFE800  }
0x8a: {  	_ =	swait.ge [sflag:s29], $0x80  }
0x8b: {  	[sflag:s29] =	ssyncset.done $0x0  }
0x8c: {  	[sflag:s29] =	ssyncadd.s32 $0xFFFFFF80  }
0x8d: {  	[spmem:s2] =	stream.indirect.scatter.add.f32 [tilespmem:s24], [sflag:$0x5], $0x30, s21, s23, $0xb8;
	[tilespmem:$0x14600] =	vst v63  }
0x8e: {  	_ =	swait.ge [sflag:s18], $0x1800  }
0x8f: {  	[sflag:s18] =	ssyncset.done $0x0  }
0x90: {  	[sflag:s18] =	ssyncadd.s32 $0xFFFFE800  }
0x91: {  	[tilespmem:s21], [sflag:$0x4] =	stream.linear.gather [hbm4b:s13+s4], $0x80, $0x38;
	[tilespmem:$0x14600] =	vst v63  }
0x92: {  	_ =	swait.ge [sflag:s25], $0x1800  }
0x93: {  	[sflag:s25] =	ssyncset.done $0x0  }
0x94: {  	[sflag:s25] =	ssyncadd.s32 $0xFFFFE800  }
0x95: {  	_ =	swait.ge [sflag:s26], $0x80  }
0x96: {  	[sflag:s26] =	ssyncset.done $0x0  }
0x97: {  	[sflag:s26] =	ssyncadd.s32 $0xFFFFFF80  }
0x98: {  	_ =	swait.ge [sflag:s29], $0x80  }
0x99: {  	s0 =	sadd.s32 $0x1, s0;
	[sflag:s29] =	ssyncset.done $0x0  }
0x9a: {  	p0 =	sne.s32 s0, s12;
	[sflag:s29] =	ssyncadd.s32 $0xFFFFFF80  }
.Ltmp1:
0x9b: {  	[bflag:$0x0] =	sbarrier.arrive $0xFFFF;
	(pc) =	sbr.rel @p0 .LBB2_1-.Ltmp1, $4  }
0x9c: {  	[hbm:s11], [sflag:s6] =	dma.local [spmem:s17], $0xED0  }
0x9d: {  	_ =	swait.ge [sflag:s18], $0xED0  }
0x9e: {  	[sflag:s18] =	ssyncset.done $0x0  }
0x9f: {  	[sflag:s18] =	ssyncadd.s32 $0xFFFFF130  }
0xa0: {  	_ =	sfence.sel $0x180000  }
0xa1: {  	[bflag:$0x0] =	sbarrier.arrive $0xFFFF  }
0xa2: {  	_ =	strace $0x9000004A  }
0xa3: {  	s0 =	stileid.u32;
	[bflag:$0x2] =	sbarrier.arrive $0xFFFF  }
0xa4: {  	p0 =	sne.s32 s0, $0x0;
	s0 =	rddreg [dreg:$0x4]  }
0xa5: {  	s0 =	sadd.s32 @!p0 $0x100000, s0  }
0xa6: {  	[sflag:s0] =	ssyncadd.tile.s32 @!p0 $0x1;
	_ =	shalt  }
.Lfunc_end2:
_tile_overlayer_lowered:
.L_overlay_start_2:
0xa7: {  	(tag) =	ssettag $0x2  }
0xa8: {  	s0 =	rddreg [dreg:$0x0];
	s2 =	stileid.u32  }
0xa9: {  	s1 =	rddreg [dreg:$0x1];
	p0 =	sne.s32 s2, $0x0  }
0xaa: {  	s3 =	rddreg [dreg:$0x2];
	[bflag:$0x3] =	sbarrier.arrive $0xFFFF;
	s2 =	simm.s32 @!p0 $0x1C05  }
0xab: {  	[timem:s3], [sflag:s2] =	dma.local @!p0 [hbm:s0], s1  }
0xac: {  	s0 =	simm.s32 @!p0 $0x5  }
0xad: {  	_ =	swait.ge @!p0 [sflag:s0], s1  }
0xae: {  	s1 =	ssub.s32 @!p0 $0x0, s1;
	[sflag:s0] =	ssyncset.done @!p0 $0x0  }
0xaf: {  	[sflag:s0] =	ssyncadd.s32 @!p0 s1  }
0xb0: {  	[bflag:$0x3] =	sbarrier.arrive $0xFFFF  }
0xb1: {  	_ =	shalt  }

</sc_bundles>
